<compile_context>
chip_gen: v7x
topology: tpu7x:2x2x1
jax: 0.10.2.dev20260603
libtpu: 0.0.44.dev20260713+nightly
codegen_flags: <defaults>
</compile_context>

<pallas_src>
import functools

import jax
import jax.numpy as jnp
from jax import lax
from jax.experimental import pallas as pl
from jax.experimental.pallas import tpu as pltpu
from jax.experimental.pallas import tpu_sc as plsc

_N = 10000
_E = 320000
_D = 128
_R = 8

_NC = 2
_NS = 16
_NW = _NC * _NS
_CH = 64
_CPT = 160
_CPH = 40
_NBUF = 4
_EPAD = _NW * _CPT * _CH
_NPAD = 10240
_RPT = _NPAD // _NS


def _transform1(x, W, lw, b2d):

    def body(x_ref, w_ref, lw_ref, b_ref, xw_ref, s_ref):
        xb = x_ref[...].astype(jnp.bfloat16)
        wb = w_ref[0].astype(jnp.bfloat16)
        xw_ref[0] = jnp.dot(xb, wb, preferred_element_type=jnp.float32)

        @pl.when(pl.program_id(0) == 0)
        def _():
            lwb = lw_ref[...].astype(jnp.bfloat16)
            s_ref[...] = (
                jnp.dot(xb, lwb, preferred_element_type=jnp.float32)
                + b_ref[...]
            )

    return pl.pallas_call(
        body,
        grid=(_R,),
        in_specs=[
            pl.BlockSpec((_N, _D), lambda r: (0, 0)),
            pl.BlockSpec((1, _D, _D), lambda r: (r, 0, 0)),
            pl.BlockSpec((_D, _D), lambda r: (0, 0)),
            pl.BlockSpec((1, _D), lambda r: (0, 0)),
        ],
        out_specs=[
            pl.BlockSpec((1, _N, _D), lambda r: (r, 0, 0)),
            pl.BlockSpec((_N, _D), lambda r: (0, 0)),
        ],
        out_shape=[
            jax.ShapeDtypeStruct((_R, _N, _D), jnp.float32),
            jax.ShapeDtypeStruct((_N, _D), jnp.float32),
        ],
    )(x, W, lw, b2d)


def _transform2(p, s1, W, lw, b2d):

    def body(p_ref, s1_ref, w_ref, lw_ref, b_ref, xw_ref, s_ref, h_ref):
        @pl.when(pl.program_id(0) == 0)
        def _():
            h_ref[...] = jnp.maximum(
                p_ref[0] + p_ref[1] + s1_ref[...], 0.0
            ).astype(jnp.bfloat16)

        h = h_ref[...]
        wb = w_ref[0].astype(jnp.bfloat16)
        xw_ref[0] = jnp.dot(h, wb, preferred_element_type=jnp.float32)

        @pl.when(pl.program_id(0) == 0)
        def _():
            lwb = lw_ref[...].astype(jnp.bfloat16)
            s_ref[...] = (
                jnp.dot(h, lwb, preferred_element_type=jnp.float32)
                + b_ref[...]
            )

    return pl.pallas_call(
        body,
        grid=(_R,),
        in_specs=[
            pl.BlockSpec((2, _N, _D), lambda r: (0, 0, 0)),
            pl.BlockSpec((_N, _D), lambda r: (0, 0)),
            pl.BlockSpec((1, _D, _D), lambda r: (r, 0, 0)),
            pl.BlockSpec((_D, _D), lambda r: (0, 0)),
            pl.BlockSpec((1, _D), lambda r: (0, 0)),
        ],
        out_specs=[
            pl.BlockSpec((1, _N, _D), lambda r: (r, 0, 0)),
            pl.BlockSpec((_N, _D), lambda r: (0, 0)),
        ],
        out_shape=[
            jax.ShapeDtypeStruct((_R, _N, _D), jnp.float32),
            jax.ShapeDtypeStruct((_N, _D), jnp.float32),
        ],
        scratch_shapes=[pltpu.VMEM((_N, _D), jnp.bfloat16)],
    )(p, s1, W, lw, b2d)


def _combine(p, s2):

    def body(p_ref, s_ref, o_ref):
        o_ref[...] = p_ref[0] + p_ref[1] + s_ref[...]

    return pl.pallas_call(
        body,
        grid=(1,),
        in_specs=[
            pl.BlockSpec((2, _N, _D), lambda i: (0, 0, 0)),
            pl.BlockSpec((_N, _D), lambda i: (0, 0)),
        ],
        out_specs=pl.BlockSpec((_N, _D), lambda i: (0, 0)),
        out_shape=jax.ShapeDtypeStruct((_N, _D), jnp.float32),
    )(p, s2)


def _sc_aggregate(table, gidx, didx, zeros):
    mesh = plsc.VectorSubcoreMesh(core_axis_name="c", subcore_axis_name="s")

    @functools.partial(
        pl.kernel,
        mesh=mesh,
        out_type=jax.ShapeDtypeStruct((_NC, _NPAD, _D), jnp.float32),
        scratch_types=[
            pltpu.VMEM((_CPH, _CH), jnp.int32),
            pltpu.VMEM((_CPH, _CH), jnp.int32),
            pltpu.VMEM((_CH, _D), jnp.float32),
            pltpu.VMEM((_CH, _D), jnp.float32),
            pltpu.VMEM((_CH, _D), jnp.float32),
            pltpu.VMEM((_CH, _D), jnp.float32),
            pltpu.VMEM((16, _D), jnp.float32),
            pltpu.VMEM_SHARED((_NPAD, _D), jnp.float32),
            pltpu.SemaphoreType.DMA,
            pltpu.SemaphoreType.DMA,
            pltpu.SemaphoreType.DMA,
            pltpu.SemaphoreType.DMA,
        ],
    )
    def k(table_hbm, gidx_hbm, didx_hbm, z_hbm, out_hbm,
          gidx_v, didx_v, rows_a, rows_b, rows_c, rows_d, z_v, acc,
          sem_a, sem_b, sem_c, sem_d):
        c = lax.axis_index("c")
        s = lax.axis_index("s")
        wid = c * _NS + s

        pltpu.sync_copy(z_hbm, z_v)

        @pl.loop(0, _RPT // 16)
        def _(k2):
            pltpu.sync_copy(z_v, acc.at[pl.ds(s * _RPT + k2 * 16, 16)])

        plsc.subcore_barrier()

        bufs = ((rows_a, sem_a), (rows_b, sem_b), (rows_c, sem_c),
                (rows_d, sem_d))

        @pl.loop(0, _CPT // _CPH)
        def _(ph):
            pltpu.sync_copy(gidx_hbm.at[wid, ph], gidx_v)
            pltpu.sync_copy(didx_hbm.at[wid, ph], didx_v)
            for b, (rows, sem) in enumerate(bufs):
                pltpu.async_copy(table_hbm.at[gidx_v.at[b]], rows, sem)

            @pl.loop(0, _CPH // _NBUF)
            def _(jj):
                j = jj * _NBUF

                def step(off, rows, sem):
                    pltpu.make_async_copy(
                        table_hbm.at[gidx_v.at[j + off]], rows, sem
                    ).wait()
                    pltpu.sync_copy(rows, acc.at[didx_v.at[j + off]], add=True)

                    @pl.when(j + off + _NBUF < _CPH)
                    def _():
                        pltpu.async_copy(
                            table_hbm.at[gidx_v.at[j + off + _NBUF]], rows, sem
                        )

                for b, (rows, sem) in enumerate(bufs):
                    step(b, rows, sem)

        plsc.subcore_barrier()

        pltpu.sync_copy(
            acc.at[pl.ds(s * _RPT, _RPT)],
            out_hbm.at[c, pl.ds(s * _RPT, _RPT)],
        )

    return k(table, gidx, didx, zeros)


def kernel(inputs, edge_index, etypes, W1, loop1, b1, W2, loop2, b2):
    x = inputs
    src = edge_index[0].astype(jnp.int32)
    dst = edge_index[1].astype(jnp.int32)
    et = etypes.astype(jnp.int32)

    pad = _EPAD - src.shape[0]
    pad_g = jnp.arange(pad, dtype=jnp.int32) % (_R * _N)
    pad_d = _N + jnp.arange(pad, dtype=jnp.int32) % (_NPAD - _N)
    idx_shape = (_NW, _CPT // _CPH, _CPH, _CH)
    gidx = jnp.concatenate([et * _N + src, pad_g]).reshape(idx_shape)
    didx = jnp.concatenate([dst, pad_d]).reshape(idx_shape)
    zeros = jnp.zeros((16, _D), jnp.float32)
    b1r = b1.reshape(1, _D)
    b2r = b2.reshape(1, _D)

    xw1, self1 = _transform1(x, W1, loop1, b1r)
    p1 = _sc_aggregate(xw1.reshape(_R * _N, _D), gidx, didx, zeros)
    xw2, self2 = _transform2(p1, self1, W2, loop2, b2r)
    p2 = _sc_aggregate(xw2.reshape(_R * _N, _D), gidx, didx, zeros)
    return _combine(p2, self2)

# --- scband reference (transcript-rebuilt; emitter-appended) ---
"""Pipeline reference for scband-rgcn-6098853560660 (READ-ONLY COPY).

The authoritative reference and input builder live on the scoring server;
editing this copy changes nothing except your own understanding.
"""

import jax, jax.numpy as jnp
import numpy as np

N = 10000
E = 320000
IN = 128
HID = 128
OUT = 128
R = 8


def setup_inputs(seed: int = 0) -> dict:
    key = jax.random.key(seed)
    ks = jax.random.split(key, 10)
    x = jax.random.normal(ks[0], (N, IN), dtype=jnp.float32)
    edge_index = jax.random.randint(ks[1], (2, E), 0, N, dtype=jnp.int64)
    etypes = jax.random.randint(ks[2], (E,), 0, R, dtype=jnp.int64)
    W1 = jax.random.normal(ks[3], (R, IN, HID), dtype=jnp.float32) * 0.02
    loop1 = jax.random.normal(ks[4], (IN, HID), dtype=jnp.float32) * 0.02
    b1 = jnp.zeros((HID,), dtype=jnp.float32)
    W2 = jax.random.normal(ks[5], (R, HID, OUT), dtype=jnp.float32) * 0.02
    loop2 = jax.random.normal(ks[6], (HID, OUT), dtype=jnp.float32) * 0.02
    b2 = jnp.zeros((OUT,), dtype=jnp.float32)
    return {"inputs": x, "edge_index": edge_index, "etypes": etypes,
            "W1": W1, "loop1": loop1, "b1": b1,
            "W2": W2, "loop2": loop2, "b2": b2}


def _rel_graph_conv(x, edge_index, etypes, W, loop_w, b):
    # DGL RelGraphConv (regularizer=None, self_loop=True, bias=True, norm=None):
    # h_i = sum_{(j->i) with rel r} W_r x_j + W_0 x_i + b
    src = edge_index[0]
    dst = edge_index[1]
    # per-node, per-relation transform, then gather per edge (low-mem typed matmul)
    xw = jnp.einsum('nd,rdo->nro', x, W)          # [N, R, out]
    msg = xw[src, etypes]                          # gather -> [E, out]
    agg = jax.ops.segment_sum(msg, dst, num_segments=x.shape[0])  # scatter-add
    return agg + x @ loop_w + b


def reference(inputs, edge_index, etypes, W1, loop1, b1, W2, loop2, b2):
    h = _rel_graph_conv(inputs, edge_index, etypes, W1, loop1, b1)
    h = jax.nn.relu(h)
    h = _rel_graph_conv(h, edge_index, etypes, W2, loop2, b2)
    return h

if __name__ == "__main__":
    import jax
    _d = setup_inputs()
    print(jax.jit(kernel)(*tuple(_d.values())))

</pallas_src>

<mosaic_0001>
#map = affine_map<(d0, d1) -> (0, 0)>
#map1 = affine_map<(d0, d1) -> (0, 0, 0, 0)>
#map2 = affine_map<(d0, d1) -> (0, 0, 0)>
module attributes {stable_mosaic.version = 14 : i64} {
  func.func @k(%arg0: i32, %arg1: i32, %arg2: memref<80000x128xf32, #tpu.memory_space<hbm>>, %arg3: memref<32x4x40x64xi32, #tpu.memory_space<hbm>>, %arg4: memref<32x4x40x64xi32, #tpu.memory_space<hbm>>, %arg5: memref<16x128xf32, #tpu.memory_space<hbm>>, %arg6: memref<2x10240x128xf32, #tpu.memory_space<hbm>>, %arg7: memref<40x64xi32, #tpu.memory_space<vmem>>, %arg8: memref<40x64xi32, #tpu.memory_space<vmem>>, %arg9: memref<64x128xf32, #tpu.memory_space<vmem>>, %arg10: memref<64x128xf32, #tpu.memory_space<vmem>>, %arg11: memref<64x128xf32, #tpu.memory_space<vmem>>, %arg12: memref<64x128xf32, #tpu.memory_space<vmem>>, %arg13: memref<16x128xf32, #tpu.memory_space<vmem>>, %arg14: memref<10240x128xf32, #tpu.memory_space<vmem_shared>>, %arg15: memref<!tpu.dma_semaphore, #tpu.memory_space<semaphore_mem>>, %arg16: memref<!tpu.dma_semaphore, #tpu.memory_space<semaphore_mem>>, %arg17: memref<!tpu.dma_semaphore, #tpu.memory_space<semaphore_mem>>, %arg18: memref<!tpu.dma_semaphore, #tpu.memory_space<semaphore_mem>>) attributes {dimension_semantics = [#tpu.dimension_semantics<core_parallel>, #tpu.dimension_semantics<subcore_parallel>], iteration_bounds = array<i64: 2, 16>, scalar_prefetch = 0 : i64, scratch_operands = 12 : i64, tpu.core_type = #tpu.core_type<sc_vector_subcore>, window_params = [{transform_indices = #map}, {transform_indices = #map1}, {transform_indices = #map1}, {transform_indices = #map}, {transform_indices = #map2}]} {
    %mul3A = arith.constant 16 : i32
    %mul3A_0 = arith.muli %arg0, %mul3A : i32
    %add3A = arith.addi %mul3A_0, %arg1 : i32
    "tpu.region"() ({
      %run_scoped3A = tpu.sem_alloc : memref<!tpu.dma_semaphore, #tpu.memory_space<semaphore_mem>>
      tpu.enqueue_dma source(%arg5 : memref<16x128xf32, #tpu.memory_space<hbm>>) target(%arg13 : memref<16x128xf32, #tpu.memory_space<vmem>>) target_semaphore(%run_scoped3A : memref<!tpu.dma_semaphore, #tpu.memory_space<semaphore_mem>>)
      tpu.wait_dma2 semaphore(%run_scoped3A : memref<!tpu.dma_semaphore, #tpu.memory_space<semaphore_mem>>) src(%arg5 : memref<16x128xf32, #tpu.memory_space<hbm>>) dst(%arg13 : memref<16x128xf32, #tpu.memory_space<vmem>>)
      tpu.yield
    }) : () -> ()
    %scan3A = arith.constant 0 : i32
    %scan3A_1 = arith.constant 40 : i32
    %scan3A_2 = arith.addi %scan3A, %scan3A_1 : i32
    %scan3A_3 = arith.constant 1 : i32
    scf.for %scan3A_15 = %scan3A to %scan3A_2 step %scan3A_3  : i32 {
      %mul3A_16 = arith.constant 1 : i32
      %mul3A_17 = arith.muli %scan3A_15, %mul3A_16 : i32
      %add3A_18 = arith.constant 0 : i32
      %add3A_19 = arith.addi %add3A_18, %mul3A_17 : i32
      %mul3A_20 = arith.constant 640 : i32
      %mul3A_21 = arith.muli %arg1, %mul3A_20 : i32
      %mul3A_22 = arith.constant 16 : i32
      %mul3A_23 = arith.muli %add3A_19, %mul3A_22 : i32
      %add3A_24 = arith.addi %mul3A_21, %mul3A_23 : i32
      "tpu.region"() ({
        %run_scoped3A = tpu.sem_alloc : memref<!tpu.dma_semaphore, #tpu.memory_space<semaphore_mem>>
        %dma_start3A = arith.constant 0 : i32
        %dma_start3A_25 = tpu.memref_slice %arg14[%add3A_24, %dma_start3A] : memref<10240x128xf32, #tpu.memory_space<vmem_shared>> -> memref<16x128xf32, #tpu.memory_space<vmem_shared>>
        %dma_start3A_26 = arith.constant 0 : i32
        %dma_start3A_27 = tpu.memref_slice %arg14[%add3A_24, %dma_start3A_26] : memref<10240x128xf32, #tpu.memory_space<vmem_shared>> -> memref<16x128xf32, #tpu.memory_space<vmem_shared>>
        tpu.enqueue_dma source(%arg13 : memref<16x128xf32, #tpu.memory_space<vmem>>) target(%dma_start3A_27 : memref<16x128xf32, #tpu.memory_space<vmem_shared>>) target_semaphore(%run_scoped3A : memref<!tpu.dma_semaphore, #tpu.memory_space<semaphore_mem>>)
        %dma_wait3A = arith.constant 0 : i32
        %dma_wait3A_28 = tpu.memref_slice %arg14[%add3A_24, %dma_wait3A] : memref<10240x128xf32, #tpu.memory_space<vmem_shared>> -> memref<16x128xf32, #tpu.memory_space<vmem_shared>>
        %dma_wait3A_29 = arith.constant 0 : i32
        %dma_wait3A_30 = tpu.memref_slice %arg14[%add3A_24, %dma_wait3A_29] : memref<10240x128xf32, #tpu.memory_space<vmem_shared>> -> memref<16x128xf32, #tpu.memory_space<vmem_shared>>
        tpu.wait_dma2 semaphore(%run_scoped3A : memref<!tpu.dma_semaphore, #tpu.memory_space<semaphore_mem>>) src(%arg13 : memref<16x128xf32, #tpu.memory_space<vmem>>) dst(%dma_wait3A_30 : memref<16x128xf32, #tpu.memory_space<vmem_shared>>)
        tpu.yield
      }) : () -> ()
    }
    %scan3A_4 = arith.constant 40 : i32
    %barrier3A = arith.constant 0 : index
    tpu.barrier barrier_id(%barrier3A)
    %scan3A_5 = arith.constant 0 : i32
    %scan3A_6 = arith.constant 4 : i32
    %scan3A_7 = arith.addi %scan3A_5, %scan3A_6 : i32
    %scan3A_8 = arith.constant 1 : i32
    scf.for %scan3A_15 = %scan3A_5 to %scan3A_7 step %scan3A_8  : i32 {
      %mul3A_16 = arith.constant 1 : i32
      %mul3A_17 = arith.muli %scan3A_15, %mul3A_16 : i32
      %add3A_18 = arith.constant 0 : i32
      %add3A_19 = arith.addi %add3A_18, %mul3A_17 : i32
      "tpu.region"() ({
        %run_scoped3A = tpu.sem_alloc : memref<!tpu.dma_semaphore, #tpu.memory_space<semaphore_mem>>
        %dma_start3A_52 = arith.constant 0 : i32
        %dma_start3A_53 = arith.constant 0 : i32
        %dma_start3A_54 = tpu.memref_slice %arg3[%add3A, %add3A_19, %dma_start3A_52, %dma_start3A_53] : memref<32x4x40x64xi32, #tpu.memory_space<hbm>> -> memref<1x1x40x64xi32, #tpu.memory_space<hbm>>
        %dma_start3A_55 = tpu.memref_squeeze %dma_start3A_54 : memref<1x1x40x64xi32, #tpu.memory_space<hbm>> -> memref<40x64xi32, #tpu.memory_space<hbm>>
        %dma_start3A_56 = arith.constant 0 : i32
        %dma_start3A_57 = arith.constant 0 : i32
        %dma_start3A_58 = tpu.memref_slice %arg3[%add3A, %add3A_19, %dma_start3A_56, %dma_start3A_57] : memref<32x4x40x64xi32, #tpu.memory_space<hbm>> -> memref<1x1x40x64xi32, #tpu.memory_space<hbm>>
        %dma_start3A_59 = tpu.memref_squeeze %dma_start3A_58 : memref<1x1x40x64xi32, #tpu.memory_space<hbm>> -> memref<40x64xi32, #tpu.memory_space<hbm>>
        tpu.enqueue_dma source(%dma_start3A_59 : memref<40x64xi32, #tpu.memory_space<hbm>>) target(%arg7 : memref<40x64xi32, #tpu.memory_space<vmem>>) target_semaphore(%run_scoped3A : memref<!tpu.dma_semaphore, #tpu.memory_space<semaphore_mem>>)
        %dma_wait3A = arith.constant 0 : i32
        %dma_wait3A_60 = arith.constant 0 : i32
        %dma_wait3A_61 = tpu.memref_slice %arg3[%add3A, %add3A_19, %dma_wait3A, %dma_wait3A_60] : memref<32x4x40x64xi32, #tpu.memory_space<hbm>> -> memref<1x1x40x64xi32, #tpu.memory_space<hbm>>
        %dma_wait3A_62 = tpu.memref_squeeze %dma_wait3A_61 : memref<1x1x40x64xi32, #tpu.memory_space<hbm>> -> memref<40x64xi32, #tpu.memory_space<hbm>>
        %dma_wait3A_63 = arith.constant 0 : i32
        %dma_wait3A_64 = arith.constant 0 : i32
        %dma_wait3A_65 = tpu.memref_slice %arg3[%add3A, %add3A_19, %dma_wait3A_63, %dma_wait3A_64] : memref<32x4x40x64xi32, #tpu.memory_space<hbm>> -> memref<1x1x40x64xi32, #tpu.memory_space<hbm>>
        %dma_wait3A_66 = tpu.memref_squeeze %dma_wait3A_65 : memref<1x1x40x64xi32, #tpu.memory_space<hbm>> -> memref<40x64xi32, #tpu.memory_space<hbm>>
        tpu.wait_dma2 semaphore(%run_scoped3A : memref<!tpu.dma_semaphore, #tpu.memory_space<semaphore_mem>>) src(%dma_wait3A_66 : memref<40x64xi32, #tpu.memory_space<hbm>>) dst(%arg7 : memref<40x64xi32, #tpu.memory_space<vmem>>)
        tpu.yield
      }) : () -> ()
      "tpu.region"() ({
        %run_scoped3A = tpu.sem_alloc : memref<!tpu.dma_semaphore, #tpu.memory_space<semaphore_mem>>
        %dma_start3A_52 = arith.constant 0 : i32
        %dma_start3A_53 = arith.constant 0 : i32
        %dma_start3A_54 = tpu.memref_slice %arg4[%add3A, %add3A_19, %dma_start3A_52, %dma_start3A_53] : memref<32x4x40x64xi32, #tpu.memory_space<hbm>> -> memref<1x1x40x64xi32, #tpu.memory_space<hbm>>
        %dma_start3A_55 = tpu.memref_squeeze %dma_start3A_54 : memref<1x1x40x64xi32, #tpu.memory_space<hbm>> -> memref<40x64xi32, #tpu.memory_space<hbm>>
        %dma_start3A_56 = arith.constant 0 : i32
        %dma_start3A_57 = arith.constant 0 : i32
        %dma_start3A_58 = tpu.memref_slice %arg4[%add3A, %add3A_19, %dma_start3A_56, %dma_start3A_57] : memref<32x4x40x64xi32, #tpu.memory_space<hbm>> -> memref<1x1x40x64xi32, #tpu.memory_space<hbm>>
        %dma_start3A_59 = tpu.memref_squeeze %dma_start3A_58 : memref<1x1x40x64xi32, #tpu.memory_space<hbm>> -> memref<40x64xi32, #tpu.memory_space<hbm>>
        tpu.enqueue_dma source(%dma_start3A_59 : memref<40x64xi32, #tpu.memory_space<hbm>>) target(%arg8 : memref<40x64xi32, #tpu.memory_space<vmem>>) target_semaphore(%run_scoped3A : memref<!tpu.dma_semaphore, #tpu.memory_space<semaphore_mem>>)
        %dma_wait3A = arith.constant 0 : i32
        %dma_wait3A_60 = arith.constant 0 : i32
        %dma_wait3A_61 = tpu.memref_slice %arg4[%add3A, %add3A_19, %dma_wait3A, %dma_wait3A_60] : memref<32x4x40x64xi32, #tpu.memory_space<hbm>> -> memref<1x1x40x64xi32, #tpu.memory_space<hbm>>
        %dma_wait3A_62 = tpu.memref_squeeze %dma_wait3A_61 : memref<1x1x40x64xi32, #tpu.memory_space<hbm>> -> memref<40x64xi32, #tpu.memory_space<hbm>>
        %dma_wait3A_63 = arith.constant 0 : i32
        %dma_wait3A_64 = arith.constant 0 : i32
        %dma_wait3A_65 = tpu.memref_slice %arg4[%add3A, %add3A_19, %dma_wait3A_63, %dma_wait3A_64] : memref<32x4x40x64xi32, #tpu.memory_space<hbm>> -> memref<1x1x40x64xi32, #tpu.memory_space<hbm>>
        %dma_wait3A_66 = tpu.memref_squeeze %dma_wait3A_65 : memref<1x1x40x64xi32, #tpu.memory_space<hbm>> -> memref<40x64xi32, #tpu.memory_space<hbm>>
        tpu.wait_dma2 semaphore(%run_scoped3A : memref<!tpu.dma_semaphore, #tpu.memory_space<semaphore_mem>>) src(%dma_wait3A_66 : memref<40x64xi32, #tpu.memory_space<hbm>>) dst(%arg8 : memref<40x64xi32, #tpu.memory_space<vmem>>)
        tpu.yield
      }) : () -> ()
      %dma_start3A = arith.constant 0 : i32
      %dma_start3A_20 = arith.constant 0 : i32
      %dma_start3A_21 = tpu.memref_slice %arg7[%dma_start3A, %dma_start3A_20] : memref<40x64xi32, #tpu.memory_space<vmem>> -> memref<1x64xi32, #tpu.memory_space<vmem>>
      %dma_start3A_22 = tpu.memref_squeeze %dma_start3A_21 : memref<1x64xi32, #tpu.memory_space<vmem>> -> memref<64xi32, #tpu.memory_space<vmem>>
      %dma_start3A_23 = arith.constant 0 : i32
      %dma_start3A_24 = arith.constant 0 : i32
      %dma_start3A_25 = tpu.memref_slice %arg2[%dma_start3A_23, %dma_start3A_24] : memref<80000x128xf32, #tpu.memory_space<hbm>> -> memref<80000x128xf32, #tpu.memory_space<hbm>>
      tpu.enqueue_indirect_dma source(%dma_start3A_25 : memref<80000x128xf32, #tpu.memory_space<hbm>>) target(%arg9 : memref<64x128xf32, #tpu.memory_space<vmem>>) offsets(%dma_start3A_22 : memref<64xi32, #tpu.memory_space<vmem>>) semaphore(%arg15 : memref<!tpu.dma_semaphore, #tpu.memory_space<semaphore_mem>>)
      %dma_start3A_26 = arith.constant 1 : i32
      %dma_start3A_27 = arith.constant 0 : i32
      %dma_start3A_28 = tpu.memref_slice %arg7[%dma_start3A_26, %dma_start3A_27] : memref<40x64xi32, #tpu.memory_space<vmem>> -> memref<1x64xi32, #tpu.memory_space<vmem>>
      %dma_start3A_29 = tpu.memref_squeeze %dma_start3A_28 : memref<1x64xi32, #tpu.memory_space<vmem>> -> memref<64xi32, #tpu.memory_space<vmem>>
      %dma_start3A_30 = arith.constant 0 : i32
      %dma_start3A_31 = arith.constant 0 : i32
      %dma_start3A_32 = tpu.memref_slice %arg2[%dma_start3A_30, %dma_start3A_31] : memref<80000x128xf32, #tpu.memory_space<hbm>> -> memref<80000x128xf32, #tpu.memory_space<hbm>>
      tpu.enqueue_indirect_dma source(%dma_start3A_32 : memref<80000x128xf32, #tpu.memory_space<hbm>>) target(%arg10 : memref<64x128xf32, #tpu.memory_space<vmem>>) offsets(%dma_start3A_29 : memref<64xi32, #tpu.memory_space<vmem>>) semaphore(%arg16 : memref<!tpu.dma_semaphore, #tpu.memory_space<semaphore_mem>>)
      %dma_start3A_33 = arith.constant 2 : i32
      %dma_start3A_34 = arith.constant 0 : i32
      %dma_start3A_35 = tpu.memref_slice %arg7[%dma_start3A_33, %dma_start3A_34] : memref<40x64xi32, #tpu.memory_space<vmem>> -> memref<1x64xi32, #tpu.memory_space<vmem>>
      %dma_start3A_36 = tpu.memref_squeeze %dma_start3A_35 : memref<1x64xi32, #tpu.memory_space<vmem>> -> memref<64xi32, #tpu.memory_space<vmem>>
      %dma_start3A_37 = arith.constant 0 : i32
      %dma_start3A_38 = arith.constant 0 : i32
      %dma_start3A_39 = tpu.memref_slice %arg2[%dma_start3A_37, %dma_start3A_38] : memref<80000x128xf32, #tpu.memory_space<hbm>> -> memref<80000x128xf32, #tpu.memory_space<hbm>>
      tpu.enqueue_indirect_dma source(%dma_start3A_39 : memref<80000x128xf32, #tpu.memory_space<hbm>>) target(%arg11 : memref<64x128xf32, #tpu.memory_space<vmem>>) offsets(%dma_start3A_36 : memref<64xi32, #tpu.memory_space<vmem>>) semaphore(%arg17 : memref<!tpu.dma_semaphore, #tpu.memory_space<semaphore_mem>>)
      %dma_start3A_40 = arith.constant 3 : i32
      %dma_start3A_41 = arith.constant 0 : i32
      %dma_start3A_42 = tpu.memref_slice %arg7[%dma_start3A_40, %dma_start3A_41] : memref<40x64xi32, #tpu.memory_space<vmem>> -> memref<1x64xi32, #tpu.memory_space<vmem>>
      %dma_start3A_43 = tpu.memref_squeeze %dma_start3A_42 : memref<1x64xi32, #tpu.memory_space<vmem>> -> memref<64xi32, #tpu.memory_space<vmem>>
      %dma_start3A_44 = arith.constant 0 : i32
      %dma_start3A_45 = arith.constant 0 : i32
      %dma_start3A_46 = tpu.memref_slice %arg2[%dma_start3A_44, %dma_start3A_45] : memref<80000x128xf32, #tpu.memory_space<hbm>> -> memref<80000x128xf32, #tpu.memory_space<hbm>>
      tpu.enqueue_indirect_dma source(%dma_start3A_46 : memref<80000x128xf32, #tpu.memory_space<hbm>>) target(%arg12 : memref<64x128xf32, #tpu.memory_space<vmem>>) offsets(%dma_start3A_43 : memref<64xi32, #tpu.memory_space<vmem>>) semaphore(%arg18 : memref<!tpu.dma_semaphore, #tpu.memory_space<semaphore_mem>>)
      %scan3A_47 = arith.constant 0 : i32
      %scan3A_48 = arith.constant 10 : i32
      %scan3A_49 = arith.addi %scan3A_47, %scan3A_48 : i32
      %scan3A_50 = arith.constant 1 : i32
      scf.for %scan3A_52 = %scan3A_47 to %scan3A_49 step %scan3A_50  : i32 {
        %mul3A_53 = arith.constant 1 : i32
        %mul3A_54 = arith.muli %scan3A_52, %mul3A_53 : i32
        %add3A_55 = arith.constant 0 : i32
        %add3A_56 = arith.addi %add3A_55, %mul3A_54 : i32
        %mul3A_57 = arith.constant 4 : i32
        %mul3A_58 = arith.muli %add3A_56, %mul3A_57 : i32
        %add3A_59 = arith.constant 0 : i32
        %add3A_60 = arith.addi %mul3A_58, %add3A_59 : i32
        %dma_wait3A = arith.constant 0 : i32
        %dma_wait3A_61 = tpu.memref_slice %arg7[%add3A_60, %dma_wait3A] : memref<40x64xi32, #tpu.memory_space<vmem>> -> memref<1x64xi32, #tpu.memory_space<vmem>>
        %dma_wait3A_62 = tpu.memref_squeeze %dma_wait3A_61 : memref<1x64xi32, #tpu.memory_space<vmem>> -> memref<64xi32, #tpu.memory_space<vmem>>
        %dma_wait3A_63 = arith.constant 0 : i32
        %dma_wait3A_64 = arith.constant 0 : i32
        %dma_wait3A_65 = tpu.memref_slice %arg2[%dma_wait3A_63, %dma_wait3A_64] : memref<80000x128xf32, #tpu.memory_space<hbm>> -> memref<80000x128xf32, #tpu.memory_space<hbm>>
        tpu.wait_indirect_dma semaphore(%arg15 : memref<!tpu.dma_semaphore, #tpu.memory_space<semaphore_mem>>) src(%dma_wait3A_65 : memref<80000x128xf32, #tpu.memory_space<hbm>>) dst(%arg9 : memref<64x128xf32, #tpu.memory_space<vmem>>)
        %add3A_66 = arith.constant 0 : i32
        %add3A_67 = arith.addi %mul3A_58, %add3A_66 : i32
        "tpu.region"() ({
          %run_scoped3A = tpu.sem_alloc : memref<!tpu.dma_semaphore, #tpu.memory_space<semaphore_mem>>
          %dma_start3A_131 = arith.constant 0 : i32
          %dma_start3A_132 = tpu.memref_slice %arg8[%add3A_67, %dma_start3A_131] : memref<40x64xi32, #tpu.memory_space<vmem>> -> memref<1x64xi32, #tpu.memory_space<vmem>>
          %dma_start3A_133 = tpu.memref_squeeze %dma_start3A_132 : memref<1x64xi32, #tpu.memory_space<vmem>> -> memref<64xi32, #tpu.memory_space<vmem>>
          %dma_start3A_134 = arith.constant 0 : i32
          %dma_start3A_135 = arith.constant 0 : i32
          %dma_start3A_136 = tpu.memref_slice %arg14[%dma_start3A_134, %dma_start3A_135] : memref<10240x128xf32, #tpu.memory_space<vmem_shared>> -> memref<10240x128xf32, #tpu.memory_space<vmem_shared>>
          tpu.enqueue_indirect_dma source(%arg9 : memref<64x128xf32, #tpu.memory_space<vmem>>) target(%dma_start3A_136 : memref<10240x128xf32, #tpu.memory_space<vmem_shared>>) offsets(%dma_start3A_133 : memref<64xi32, #tpu.memory_space<vmem>>) semaphore(%run_scoped3A : memref<!tpu.dma_semaphore, #tpu.memory_space<semaphore_mem>>) {add = true}
          %dma_wait3A_137 = arith.constant 0 : i32
          %dma_wait3A_138 = tpu.memref_slice %arg8[%add3A_67, %dma_wait3A_137] : memref<40x64xi32, #tpu.memory_space<vmem>> -> memref<1x64xi32, #tpu.memory_space<vmem>>
          %dma_wait3A_139 = tpu.memref_squeeze %dma_wait3A_138 : memref<1x64xi32, #tpu.memory_space<vmem>> -> memref<64xi32, #tpu.memory_space<vmem>>
          %dma_wait3A_140 = arith.constant 0 : i32
          %dma_wait3A_141 = arith.constant 0 : i32
          %dma_wait3A_142 = tpu.memref_slice %arg14[%dma_wait3A_140, %dma_wait3A_141] : memref<10240x128xf32, #tpu.memory_space<vmem_shared>> -> memref<10240x128xf32, #tpu.memory_space<vmem_shared>>
          tpu.wait_indirect_dma semaphore(%run_scoped3A : memref<!tpu.dma_semaphore, #tpu.memory_space<semaphore_mem>>) src(%arg9 : memref<64x128xf32, #tpu.memory_space<vmem>>) dst(%dma_wait3A_142 : memref<10240x128xf32, #tpu.memory_space<vmem_shared>>)
          tpu.yield
        }) : () -> ()
        %add3A_68 = arith.constant 0 : i32
        %add3A_69 = arith.addi %mul3A_58, %add3A_68 : i32
        %add3A_70 = arith.constant 4 : i32
        %add3A_71 = arith.addi %add3A_69, %add3A_70 : i32
        %lt3A = arith.constant 40 : i32
        %lt3A_72 = arith.cmpi slt, %add3A_71, %lt3A : i32
        %convert_element_type3A = arith.extui %lt3A_72 : i1 to i32
        %cond3A = arith.constant 0 : i32
        %cond3A_73 = arith.cmpi ne, %convert_element_type3A, %cond3A : i32
        scf.if %cond3A_73 {
          %add3A_131 = arith.constant 0 : i32
          %add3A_132 = arith.addi %mul3A_58, %add3A_131 : i32
          %add3A_133 = arith.constant 4 : i32
          %add3A_134 = arith.addi %add3A_132, %add3A_133 : i32
          %dma_start3A_135 = arith.constant 0 : i32
          %dma_start3A_136 = tpu.memref_slice %arg7[%add3A_134, %dma_start3A_135] : memref<40x64xi32, #tpu.memory_space<vmem>> -> memref<1x64xi32, #tpu.memory_space<vmem>>
          %dma_start3A_137 = tpu.memref_squeeze %dma_start3A_136 : memref<1x64xi32, #tpu.memory_space<vmem>> -> memref<64xi32, #tpu.memory_space<vmem>>
          %dma_start3A_138 = arith.constant 0 : i32
          %dma_start3A_139 = arith.constant 0 : i32
          %dma_start3A_140 = tpu.memref_slice %arg2[%dma_start3A_138, %dma_start3A_139] : memref<80000x128xf32, #tpu.memory_space<hbm>> -> memref<80000x128xf32, #tpu.memory_space<hbm>>
          tpu.enqueue_indirect_dma source(%dma_start3A_140 : memref<80000x128xf32, #tpu.memory_space<hbm>>) target(%arg9 : memref<64x128xf32, #tpu.memory_space<vmem>>) offsets(%dma_start3A_137 : memref<64xi32, #tpu.memory_space<vmem>>) semaphore(%arg15 : memref<!tpu.dma_semaphore, #tpu.memory_space<semaphore_mem>>)
        } else {
        }
        %add3A_74 = arith.constant 1 : i32
        %add3A_75 = arith.addi %mul3A_58, %add3A_74 : i32
        %dma_wait3A_76 = arith.constant 0 : i32
        %dma_wait3A_77 = tpu.memref_slice %arg7[%add3A_75, %dma_wait3A_76] : memref<40x64xi32, #tpu.memory_space<vmem>> -> memref<1x64xi32, #tpu.memory_space<vmem>>
        %dma_wait3A_78 = tpu.memref_squeeze %dma_wait3A_77 : memref<1x64xi32, #tpu.memory_space<vmem>> -> memref<64xi32, #tpu.memory_space<vmem>>
        %dma_wait3A_79 = arith.constant 0 : i32
        %dma_wait3A_80 = arith.constant 0 : i32
        %dma_wait3A_81 = tpu.memref_slice %arg2[%dma_wait3A_79, %dma_wait3A_80] : memref<80000x128xf32, #tpu.memory_space<hbm>> -> memref<80000x128xf32, #tpu.memory_space<hbm>>
        tpu.wait_indirect_dma semaphore(%arg16 : memref<!tpu.dma_semaphore, #tpu.memory_space<semaphore_mem>>) src(%dma_wait3A_81 : memref<80000x128xf32, #tpu.memory_space<hbm>>) dst(%arg10 : memref<64x128xf32, #tpu.memory_space<vmem>>)
        %add3A_82 = arith.constant 1 : i32
        %add3A_83 = arith.addi %mul3A_58, %add3A_82 : i32
        "tpu.region"() ({
          %run_scoped3A = tpu.sem_alloc : memref<!tpu.dma_semaphore, #tpu.memory_space<semaphore_mem>>
          %dma_start3A_131 = arith.constant 0 : i32
          %dma_start3A_132 = tpu.memref_slice %arg8[%add3A_83, %dma_start3A_131] : memref<40x64xi32, #tpu.memory_space<vmem>> -> memref<1x64xi32, #tpu.memory_space<vmem>>
          %dma_start3A_133 = tpu.memref_squeeze %dma_start3A_132 : memref<1x64xi32, #tpu.memory_space<vmem>> -> memref<64xi32, #tpu.memory_space<vmem>>
          %dma_start3A_134 = arith.constant 0 : i32
          %dma_start3A_135 = arith.constant 0 : i32
          %dma_start3A_136 = tpu.memref_slice %arg14[%dma_start3A_134, %dma_start3A_135] : memref<10240x128xf32, #tpu.memory_space<vmem_shared>> -> memref<10240x128xf32, #tpu.memory_space<vmem_shared>>
          tpu.enqueue_indirect_dma source(%arg10 : memref<64x128xf32, #tpu.memory_space<vmem>>) target(%dma_start3A_136 : memref<10240x128xf32, #tpu.memory_space<vmem_shared>>) offsets(%dma_start3A_133 : memref<64xi32, #tpu.memory_space<vmem>>) semaphore(%run_scoped3A : memref<!tpu.dma_semaphore, #tpu.memory_space<semaphore_mem>>) {add = true}
          %dma_wait3A_137 = arith.constant 0 : i32
          %dma_wait3A_138 = tpu.memref_slice %arg8[%add3A_83, %dma_wait3A_137] : memref<40x64xi32, #tpu.memory_space<vmem>> -> memref<1x64xi32, #tpu.memory_space<vmem>>
          %dma_wait3A_139 = tpu.memref_squeeze %dma_wait3A_138 : memref<1x64xi32, #tpu.memory_space<vmem>> -> memref<64xi32, #tpu.memory_space<vmem>>
          %dma_wait3A_140 = arith.constant 0 : i32
          %dma_wait3A_141 = arith.constant 0 : i32
          %dma_wait3A_142 = tpu.memref_slice %arg14[%dma_wait3A_140, %dma_wait3A_141] : memref<10240x128xf32, #tpu.memory_space<vmem_shared>> -> memref<10240x128xf32, #tpu.memory_space<vmem_shared>>
          tpu.wait_indirect_dma semaphore(%run_scoped3A : memref<!tpu.dma_semaphore, #tpu.memory_space<semaphore_mem>>) src(%arg10 : memref<64x128xf32, #tpu.memory_space<vmem>>) dst(%dma_wait3A_142 : memref<10240x128xf32, #tpu.memory_space<vmem_shared>>)
          tpu.yield
        }) : () -> ()
        %add3A_84 = arith.constant 1 : i32
        %add3A_85 = arith.addi %mul3A_58, %add3A_84 : i32
        %add3A_86 = arith.constant 4 : i32
        %add3A_87 = arith.addi %add3A_85, %add3A_86 : i32
        %lt3A_88 = arith.constant 40 : i32
        %lt3A_89 = arith.cmpi slt, %add3A_87, %lt3A_88 : i32
        %convert_element_type3A_90 = arith.extui %lt3A_89 : i1 to i32
        %cond3A_91 = arith.constant 0 : i32
        %cond3A_92 = arith.cmpi ne, %convert_element_type3A_90, %cond3A_91 : i32
        scf.if %cond3A_92 {
          %add3A_131 = arith.constant 1 : i32
          %add3A_132 = arith.addi %mul3A_58, %add3A_131 : i32
          %add3A_133 = arith.constant 4 : i32
          %add3A_134 = arith.addi %add3A_132, %add3A_133 : i32
          %dma_start3A_135 = arith.constant 0 : i32
          %dma_start3A_136 = tpu.memref_slice %arg7[%add3A_134, %dma_start3A_135] : memref<40x64xi32, #tpu.memory_space<vmem>> -> memref<1x64xi32, #tpu.memory_space<vmem>>
          %dma_start3A_137 = tpu.memref_squeeze %dma_start3A_136 : memref<1x64xi32, #tpu.memory_space<vmem>> -> memref<64xi32, #tpu.memory_space<vmem>>
          %dma_start3A_138 = arith.constant 0 : i32
          %dma_start3A_139 = arith.constant 0 : i32
          %dma_start3A_140 = tpu.memref_slice %arg2[%dma_start3A_138, %dma_start3A_139] : memref<80000x128xf32, #tpu.memory_space<hbm>> -> memref<80000x128xf32, #tpu.memory_space<hbm>>
          tpu.enqueue_indirect_dma source(%dma_start3A_140 : memref<80000x128xf32, #tpu.memory_space<hbm>>) target(%arg10 : memref<64x128xf32, #tpu.memory_space<vmem>>) offsets(%dma_start3A_137 : memref<64xi32, #tpu.memory_space<vmem>>) semaphore(%arg16 : memref<!tpu.dma_semaphore, #tpu.memory_space<semaphore_mem>>)
        } else {
        }
        %add3A_93 = arith.constant 2 : i32
        %add3A_94 = arith.addi %mul3A_58, %add3A_93 : i32
        %dma_wait3A_95 = arith.constant 0 : i32
        %dma_wait3A_96 = tpu.memref_slice %arg7[%add3A_94, %dma_wait3A_95] : memref<40x64xi32, #tpu.memory_space<vmem>> -> memref<1x64xi32, #tpu.memory_space<vmem>>
        %dma_wait3A_97 = tpu.memref_squeeze %dma_wait3A_96 : memref<1x64xi32, #tpu.memory_space<vmem>> -> memref<64xi32, #tpu.memory_space<vmem>>
        %dma_wait3A_98 = arith.constant 0 : i32
        %dma_wait3A_99 = arith.constant 0 : i32
        %dma_wait3A_100 = tpu.memref_slice %arg2[%dma_wait3A_98, %dma_wait3A_99] : memref<80000x128xf32, #tpu.memory_space<hbm>> -> memref<80000x128xf32, #tpu.memory_space<hbm>>
        tpu.wait_indirect_dma semaphore(%arg17 : memref<!tpu.dma_semaphore, #tpu.memory_space<semaphore_mem>>) src(%dma_wait3A_100 : memref<80000x128xf32, #tpu.memory_space<hbm>>) dst(%arg11 : memref<64x128xf32, #tpu.memory_space<vmem>>)
        %add3A_101 = arith.constant 2 : i32
        %add3A_102 = arith.addi %mul3A_58, %add3A_101 : i32
        "tpu.region"() ({
          %run_scoped3A = tpu.sem_alloc : memref<!tpu.dma_semaphore, #tpu.memory_space<semaphore_mem>>
          %dma_start3A_131 = arith.constant 0 : i32
          %dma_start3A_132 = tpu.memref_slice %arg8[%add3A_102, %dma_start3A_131] : memref<40x64xi32, #tpu.memory_space<vmem>> -> memref<1x64xi32, #tpu.memory_space<vmem>>
          %dma_start3A_133 = tpu.memref_squeeze %dma_start3A_132 : memref<1x64xi32, #tpu.memory_space<vmem>> -> memref<64xi32, #tpu.memory_space<vmem>>
          %dma_start3A_134 = arith.constant 0 : i32
          %dma_start3A_135 = arith.constant 0 : i32
          %dma_start3A_136 = tpu.memref_slice %arg14[%dma_start3A_134, %dma_start3A_135] : memref<10240x128xf32, #tpu.memory_space<vmem_shared>> -> memref<10240x128xf32, #tpu.memory_space<vmem_shared>>
          tpu.enqueue_indirect_dma source(%arg11 : memref<64x128xf32, #tpu.memory_space<vmem>>) target(%dma_start3A_136 : memref<10240x128xf32, #tpu.memory_space<vmem_shared>>) offsets(%dma_start3A_133 : memref<64xi32, #tpu.memory_space<vmem>>) semaphore(%run_scoped3A : memref<!tpu.dma_semaphore, #tpu.memory_space<semaphore_mem>>) {add = true}
          %dma_wait3A_137 = arith.constant 0 : i32
          %dma_wait3A_138 = tpu.memref_slice %arg8[%add3A_102, %dma_wait3A_137] : memref<40x64xi32, #tpu.memory_space<vmem>> -> memref<1x64xi32, #tpu.memory_space<vmem>>
          %dma_wait3A_139 = tpu.memref_squeeze %dma_wait3A_138 : memref<1x64xi32, #tpu.memory_space<vmem>> -> memref<64xi32, #tpu.memory_space<vmem>>
          %dma_wait3A_140 = arith.constant 0 : i32
          %dma_wait3A_141 = arith.constant 0 : i32
          %dma_wait3A_142 = tpu.memref_slice %arg14[%dma_wait3A_140, %dma_wait3A_141] : memref<10240x128xf32, #tpu.memory_space<vmem_shared>> -> memref<10240x128xf32, #tpu.memory_space<vmem_shared>>
          tpu.wait_indirect_dma semaphore(%run_scoped3A : memref<!tpu.dma_semaphore, #tpu.memory_space<semaphore_mem>>) src(%arg11 : memref<64x128xf32, #tpu.memory_space<vmem>>) dst(%dma_wait3A_142 : memref<10240x128xf32, #tpu.memory_space<vmem_shared>>)
          tpu.yield
        }) : () -> ()
        %add3A_103 = arith.constant 2 : i32
        %add3A_104 = arith.addi %mul3A_58, %add3A_103 : i32
        %add3A_105 = arith.constant 4 : i32
        %add3A_106 = arith.addi %add3A_104, %add3A_105 : i32
        %lt3A_107 = arith.constant 40 : i32
        %lt3A_108 = arith.cmpi slt, %add3A_106, %lt3A_107 : i32
        %convert_element_type3A_109 = arith.extui %lt3A_108 : i1 to i32
        %cond3A_110 = arith.constant 0 : i32
        %cond3A_111 = arith.cmpi ne, %convert_element_type3A_109, %cond3A_110 : i32
        scf.if %cond3A_111 {
          %add3A_131 = arith.constant 2 : i32
          %add3A_132 = arith.addi %mul3A_58, %add3A_131 : i32
          %add3A_133 = arith.constant 4 : i32
          %add3A_134 = arith.addi %add3A_132, %add3A_133 : i32
          %dma_start3A_135 = arith.constant 0 : i32
          %dma_start3A_136 = tpu.memref_slice %arg7[%add3A_134, %dma_start3A_135] : memref<40x64xi32, #tpu.memory_space<vmem>> -> memref<1x64xi32, #tpu.memory_space<vmem>>
          %dma_start3A_137 = tpu.memref_squeeze %dma_start3A_136 : memref<1x64xi32, #tpu.memory_space<vmem>> -> memref<64xi32, #tpu.memory_space<vmem>>
          %dma_start3A_138 = arith.constant 0 : i32
          %dma_start3A_139 = arith.constant 0 : i32
          %dma_start3A_140 = tpu.memref_slice %arg2[%dma_start3A_138, %dma_start3A_139] : memref<80000x128xf32, #tpu.memory_space<hbm>> -> memref<80000x128xf32, #tpu.memory_space<hbm>>
          tpu.enqueue_indirect_dma source(%dma_start3A_140 : memref<80000x128xf32, #tpu.memory_space<hbm>>) target(%arg11 : memref<64x128xf32, #tpu.memory_space<vmem>>) offsets(%dma_start3A_137 : memref<64xi32, #tpu.memory_space<vmem>>) semaphore(%arg17 : memref<!tpu.dma_semaphore, #tpu.memory_space<semaphore_mem>>)
        } else {
        }
        %add3A_112 = arith.constant 3 : i32
        %add3A_113 = arith.addi %mul3A_58, %add3A_112 : i32
        %dma_wait3A_114 = arith.constant 0 : i32
        %dma_wait3A_115 = tpu.memref_slice %arg7[%add3A_113, %dma_wait3A_114] : memref<40x64xi32, #tpu.memory_space<vmem>> -> memref<1x64xi32, #tpu.memory_space<vmem>>
        %dma_wait3A_116 = tpu.memref_squeeze %dma_wait3A_115 : memref<1x64xi32, #tpu.memory_space<vmem>> -> memref<64xi32, #tpu.memory_space<vmem>>
        %dma_wait3A_117 = arith.constant 0 : i32
        %dma_wait3A_118 = arith.constant 0 : i32
        %dma_wait3A_119 = tpu.memref_slice %arg2[%dma_wait3A_117, %dma_wait3A_118] : memref<80000x128xf32, #tpu.memory_space<hbm>> -> memref<80000x128xf32, #tpu.memory_space<hbm>>
        tpu.wait_indirect_dma semaphore(%arg18 : memref<!tpu.dma_semaphore, #tpu.memory_space<semaphore_mem>>) src(%dma_wait3A_119 : memref<80000x128xf32, #tpu.memory_space<hbm>>) dst(%arg12 : memref<64x128xf32, #tpu.memory_space<vmem>>)
        %add3A_120 = arith.constant 3 : i32
        %add3A_121 = arith.addi %mul3A_58, %add3A_120 : i32
        "tpu.region"() ({
          %run_scoped3A = tpu.sem_alloc : memref<!tpu.dma_semaphore, #tpu.memory_space<semaphore_mem>>
          %dma_start3A_131 = arith.constant 0 : i32
          %dma_start3A_132 = tpu.memref_slice %arg8[%add3A_121, %dma_start3A_131] : memref<40x64xi32, #tpu.memory_space<vmem>> -> memref<1x64xi32, #tpu.memory_space<vmem>>
          %dma_start3A_133 = tpu.memref_squeeze %dma_start3A_132 : memref<1x64xi32, #tpu.memory_space<vmem>> -> memref<64xi32, #tpu.memory_space<vmem>>
          %dma_start3A_134 = arith.constant 0 : i32
          %dma_start3A_135 = arith.constant 0 : i32
          %dma_start3A_136 = tpu.memref_slice %arg14[%dma_start3A_134, %dma_start3A_135] : memref<10240x128xf32, #tpu.memory_space<vmem_shared>> -> memref<10240x128xf32, #tpu.memory_space<vmem_shared>>
          tpu.enqueue_indirect_dma source(%arg12 : memref<64x128xf32, #tpu.memory_space<vmem>>) target(%dma_start3A_136 : memref<10240x128xf32, #tpu.memory_space<vmem_shared>>) offsets(%dma_start3A_133 : memref<64xi32, #tpu.memory_space<vmem>>) semaphore(%run_scoped3A : memref<!tpu.dma_semaphore, #tpu.memory_space<semaphore_mem>>) {add = true}
          %dma_wait3A_137 = arith.constant 0 : i32
          %dma_wait3A_138 = tpu.memref_slice %arg8[%add3A_121, %dma_wait3A_137] : memref<40x64xi32, #tpu.memory_space<vmem>> -> memref<1x64xi32, #tpu.memory_space<vmem>>
          %dma_wait3A_139 = tpu.memref_squeeze %dma_wait3A_138 : memref<1x64xi32, #tpu.memory_space<vmem>> -> memref<64xi32, #tpu.memory_space<vmem>>
          %dma_wait3A_140 = arith.constant 0 : i32
          %dma_wait3A_141 = arith.constant 0 : i32
          %dma_wait3A_142 = tpu.memref_slice %arg14[%dma_wait3A_140, %dma_wait3A_141] : memref<10240x128xf32, #tpu.memory_space<vmem_shared>> -> memref<10240x128xf32, #tpu.memory_space<vmem_shared>>
          tpu.wait_indirect_dma semaphore(%run_scoped3A : memref<!tpu.dma_semaphore, #tpu.memory_space<semaphore_mem>>) src(%arg12 : memref<64x128xf32, #tpu.memory_space<vmem>>) dst(%dma_wait3A_142 : memref<10240x128xf32, #tpu.memory_space<vmem_shared>>)
          tpu.yield
        }) : () -> ()
        %add3A_122 = arith.constant 3 : i32
        %add3A_123 = arith.addi %mul3A_58, %add3A_122 : i32
        %add3A_124 = arith.constant 4 : i32
        %add3A_125 = arith.addi %add3A_123, %add3A_124 : i32
        %lt3A_126 = arith.constant 40 : i32
        %lt3A_127 = arith.cmpi slt, %add3A_125, %lt3A_126 : i32
        %convert_element_type3A_128 = arith.extui %lt3A_127 : i1 to i32
        %cond3A_129 = arith.constant 0 : i32
        %cond3A_130 = arith.cmpi ne, %convert_element_type3A_128, %cond3A_129 : i32
        scf.if %cond3A_130 {
          %add3A_131 = arith.constant 3 : i32
          %add3A_132 = arith.addi %mul3A_58, %add3A_131 : i32
          %add3A_133 = arith.constant 4 : i32
          %add3A_134 = arith.addi %add3A_132, %add3A_133 : i32
          %dma_start3A_135 = arith.constant 0 : i32
          %dma_start3A_136 = tpu.memref_slice %arg7[%add3A_134, %dma_start3A_135] : memref<40x64xi32, #tpu.memory_space<vmem>> -> memref<1x64xi32, #tpu.memory_space<vmem>>
          %dma_start3A_137 = tpu.memref_squeeze %dma_start3A_136 : memref<1x64xi32, #tpu.memory_space<vmem>> -> memref<64xi32, #tpu.memory_space<vmem>>
          %dma_start3A_138 = arith.constant 0 : i32
          %dma_start3A_139 = arith.constant 0 : i32
          %dma_start3A_140 = tpu.memref_slice %arg2[%dma_start3A_138, %dma_start3A_139] : memref<80000x128xf32, #tpu.memory_space<hbm>> -> memref<80000x128xf32, #tpu.memory_space<hbm>>
          tpu.enqueue_indirect_dma source(%dma_start3A_140 : memref<80000x128xf32, #tpu.memory_space<hbm>>) target(%arg12 : memref<64x128xf32, #tpu.memory_space<vmem>>) offsets(%dma_start3A_137 : memref<64xi32, #tpu.memory_space<vmem>>) semaphore(%arg18 : memref<!tpu.dma_semaphore, #tpu.memory_space<semaphore_mem>>)
        } else {
        }
      }
      %scan3A_51 = arith.constant 10 : i32
    }
    %scan3A_9 = arith.constant 4 : i32
    %barrier3A_10 = arith.constant 0 : index
    tpu.barrier barrier_id(%barrier3A_10)
    %mul3A_11 = arith.constant 640 : i32
    %mul3A_12 = arith.muli %arg1, %mul3A_11 : i32
    %mul3A_13 = arith.constant 640 : i32
    %mul3A_14 = arith.muli %arg1, %mul3A_13 : i32
    "tpu.region"() ({
      %run_scoped3A = tpu.sem_alloc : memref<!tpu.dma_semaphore, #tpu.memory_space<semaphore_mem>>
      %dma_start3A = arith.constant 0 : i32
      %dma_start3A_15 = tpu.memref_slice %arg6[%arg0, %mul3A_14, %dma_start3A] : memref<2x10240x128xf32, #tpu.memory_space<hbm>> -> memref<1x640x128xf32, #tpu.memory_space<hbm>>
      %dma_start3A_16 = tpu.memref_squeeze %dma_start3A_15 : memref<1x640x128xf32, #tpu.memory_space<hbm>> -> memref<640x128xf32, #tpu.memory_space<hbm>>
      %dma_start3A_17 = arith.constant 0 : i32
      %dma_start3A_18 = tpu.memref_slice %arg14[%mul3A_12, %dma_start3A_17] : memref<10240x128xf32, #tpu.memory_space<vmem_shared>> -> memref<640x128xf32, #tpu.memory_space<vmem_shared>>
      tpu.enqueue_dma source(%dma_start3A_18 : memref<640x128xf32, #tpu.memory_space<vmem_shared>>) target(%dma_start3A_16 : memref<640x128xf32, #tpu.memory_space<hbm>>) target_semaphore(%run_scoped3A : memref<!tpu.dma_semaphore, #tpu.memory_space<semaphore_mem>>)
      %dma_wait3A = arith.constant 0 : i32
      %dma_wait3A_19 = tpu.memref_slice %arg6[%arg0, %mul3A_14, %dma_wait3A] : memref<2x10240x128xf32, #tpu.memory_space<hbm>> -> memref<1x640x128xf32, #tpu.memory_space<hbm>>
      %dma_wait3A_20 = tpu.memref_squeeze %dma_wait3A_19 : memref<1x640x128xf32, #tpu.memory_space<hbm>> -> memref<640x128xf32, #tpu.memory_space<hbm>>
      %dma_wait3A_21 = arith.constant 0 : i32
      %dma_wait3A_22 = tpu.memref_slice %arg14[%mul3A_12, %dma_wait3A_21] : memref<10240x128xf32, #tpu.memory_space<vmem_shared>> -> memref<640x128xf32, #tpu.memory_space<vmem_shared>>
      tpu.wait_dma2 semaphore(%run_scoped3A : memref<!tpu.dma_semaphore, #tpu.memory_space<semaphore_mem>>) src(%dma_wait3A_22 : memref<640x128xf32, #tpu.memory_space<vmem_shared>>) dst(%dma_wait3A_20 : memref<640x128xf32, #tpu.memory_space<hbm>>)
      tpu.yield
    }) : () -> ()
    return
  }
}

#map = affine_map<(d0, d1) -> (0, 0)>
#map1 = affine_map<(d0, d1) -> (0, 0, 0, 0)>
#map2 = affine_map<(d0, d1) -> (0, 0, 0)>
module attributes {stable_mosaic.version = 14 : i64} {
  func.func @k(%arg0: i32, %arg1: i32, %arg2: memref<80000x128xf32, #tpu.memory_space<hbm>>, %arg3: memref<32x4x40x64xi32, #tpu.memory_space<hbm>>, %arg4: memref<32x4x40x64xi32, #tpu.memory_space<hbm>>, %arg5: memref<16x128xf32, #tpu.memory_space<hbm>>, %arg6: memref<2x10240x128xf32, #tpu.memory_space<hbm>>, %arg7: memref<40x64xi32, #tpu.memory_space<vmem>>, %arg8: memref<40x64xi32, #tpu.memory_space<vmem>>, %arg9: memref<64x128xf32, #tpu.memory_space<vmem>>, %arg10: memref<64x128xf32, #tpu.memory_space<vmem>>, %arg11: memref<64x128xf32, #tpu.memory_space<vmem>>, %arg12: memref<64x128xf32, #tpu.memory_space<vmem>>, %arg13: memref<16x128xf32, #tpu.memory_space<vmem>>, %arg14: memref<10240x128xf32, #tpu.memory_space<vmem_shared>>, %arg15: memref<!tpu.dma_semaphore, #tpu.memory_space<semaphore_mem>>, %arg16: memref<!tpu.dma_semaphore, #tpu.memory_space<semaphore_mem>>, %arg17: memref<!tpu.dma_semaphore, #tpu.memory_space<semaphore_mem>>, %arg18: memref<!tpu.dma_semaphore, #tpu.memory_space<semaphore_mem>>) attributes {dimension_semantics = [#tpu.dimension_semantics<core_parallel>, #tpu.dimension_semantics<subcore_parallel>], iteration_bounds = array<i64: 2, 16>, scalar_prefetch = 0 : i64, scratch_operands = 12 : i64, tpu.core_type = #tpu.core_type<sc_vector_subcore>, window_params = [{transform_indices = #map}, {transform_indices = #map1}, {transform_indices = #map1}, {transform_indices = #map}, {transform_indices = #map2}]} {
    %mul3A = arith.constant 16 : i32
    %mul3A_0 = arith.muli %arg0, %mul3A : i32
    %add3A = arith.addi %mul3A_0, %arg1 : i32
    "tpu.region"() ({
      %run_scoped3A = tpu.sem_alloc : memref<!tpu.dma_semaphore, #tpu.memory_space<semaphore_mem>>
      tpu.enqueue_dma source(%arg5 : memref<16x128xf32, #tpu.memory_space<hbm>>) target(%arg13 : memref<16x128xf32, #tpu.memory_space<vmem>>) target_semaphore(%run_scoped3A : memref<!tpu.dma_semaphore, #tpu.memory_space<semaphore_mem>>)
      tpu.wait_dma2 semaphore(%run_scoped3A : memref<!tpu.dma_semaphore, #tpu.memory_space<semaphore_mem>>) src(%arg5 : memref<16x128xf32, #tpu.memory_space<hbm>>) dst(%arg13 : memref<16x128xf32, #tpu.memory_space<vmem>>)
      tpu.yield
    }) : () -> ()
    %scan3A = arith.constant 0 : i32
    %scan3A_1 = arith.constant 40 : i32
    %scan3A_2 = arith.addi %scan3A, %scan3A_1 : i32
    %scan3A_3 = arith.constant 1 : i32
    scf.for %scan3A_15 = %scan3A to %scan3A_2 step %scan3A_3  : i32 {
      %mul3A_16 = arith.constant 1 : i32
      %mul3A_17 = arith.muli %scan3A_15, %mul3A_16 : i32
      %add3A_18 = arith.constant 0 : i32
      %add3A_19 = arith.addi %add3A_18, %mul3A_17 : i32
      %mul3A_20 = arith.constant 640 : i32
      %mul3A_21 = arith.muli %arg1, %mul3A_20 : i32
      %mul3A_22 = arith.constant 16 : i32
      %mul3A_23 = arith.muli %add3A_19, %mul3A_22 : i32
      %add3A_24 = arith.addi %mul3A_21, %mul3A_23 : i32
      "tpu.region"() ({
        %run_scoped3A = tpu.sem_alloc : memref<!tpu.dma_semaphore, #tpu.memory_space<semaphore_mem>>
        %dma_start3A = arith.constant 0 : i32
        %dma_start3A_25 = tpu.memref_slice %arg14[%add3A_24, %dma_start3A] : memref<10240x128xf32, #tpu.memory_space<vmem_shared>> -> memref<16x128xf32, #tpu.memory_space<vmem_shared>>
        %dma_start3A_26 = arith.constant 0 : i32
        %dma_start3A_27 = tpu.memref_slice %arg14[%add3A_24, %dma_start3A_26] : memref<10240x128xf32, #tpu.memory_space<vmem_shared>> -> memref<16x128xf32, #tpu.memory_space<vmem_shared>>
        tpu.enqueue_dma source(%arg13 : memref<16x128xf32, #tpu.memory_space<vmem>>) target(%dma_start3A_27 : memref<16x128xf32, #tpu.memory_space<vmem_shared>>) target_semaphore(%run_scoped3A : memref<!tpu.dma_semaphore, #tpu.memory_space<semaphore_mem>>)
        %dma_wait3A = arith.constant 0 : i32
        %dma_wait3A_28 = tpu.memref_slice %arg14[%add3A_24, %dma_wait3A] : memref<10240x128xf32, #tpu.memory_space<vmem_shared>> -> memref<16x128xf32, #tpu.memory_space<vmem_shared>>
        %dma_wait3A_29 = arith.constant 0 : i32
        %dma_wait3A_30 = tpu.memref_slice %arg14[%add3A_24, %dma_wait3A_29] : memref<10240x128xf32, #tpu.memory_space<vmem_shared>> -> memref<16x128xf32, #tpu.memory_space<vmem_shared>>
        tpu.wait_dma2 semaphore(%run_scoped3A : memref<!tpu.dma_semaphore, #tpu.memory_space<semaphore_mem>>) src(%arg13 : memref<16x128xf32, #tpu.memory_space<vmem>>) dst(%dma_wait3A_30 : memref<16x128xf32, #tpu.memory_space<vmem_shared>>)
        tpu.yield
      }) : () -> ()
    }
    %scan3A_4 = arith.constant 40 : i32
    %barrier3A = arith.constant 0 : index
    tpu.barrier barrier_id(%barrier3A)
    %scan3A_5 = arith.constant 0 : i32
    %scan3A_6 = arith.constant 4 : i32
    %scan3A_7 = arith.addi %scan3A_5, %scan3A_6 : i32
    %scan3A_8 = arith.constant 1 : i32
    scf.for %scan3A_15 = %scan3A_5 to %scan3A_7 step %scan3A_8  : i32 {
      %mul3A_16 = arith.constant 1 : i32
      %mul3A_17 = arith.muli %scan3A_15, %mul3A_16 : i32
      %add3A_18 = arith.constant 0 : i32
      %add3A_19 = arith.addi %add3A_18, %mul3A_17 : i32
      "tpu.region"() ({
        %run_scoped3A = tpu.sem_alloc : memref<!tpu.dma_semaphore, #tpu.memory_space<semaphore_mem>>
        %dma_start3A_52 = arith.constant 0 : i32
        %dma_start3A_53 = arith.constant 0 : i32
        %dma_start3A_54 = tpu.memref_slice %arg3[%add3A, %add3A_19, %dma_start3A_52, %dma_start3A_53] : memref<32x4x40x64xi32, #tpu.memory_space<hbm>> -> memref<1x1x40x64xi32, #tpu.memory_space<hbm>>
        %dma_start3A_55 = tpu.memref_squeeze %dma_start3A_54 : memref<1x1x40x64xi32, #tpu.memory_space<hbm>> -> memref<40x64xi32, #tpu.memory_space<hbm>>
        %dma_start3A_56 = arith.constant 0 : i32
        %dma_start3A_57 = arith.constant 0 : i32
        %dma_start3A_58 = tpu.memref_slice %arg3[%add3A, %add3A_19, %dma_start3A_56, %dma_start3A_57] : memref<32x4x40x64xi32, #tpu.memory_space<hbm>> -> memref<1x1x40x64xi32, #tpu.memory_space<hbm>>
        %dma_start3A_59 = tpu.memref_squeeze %dma_start3A_58 : memref<1x1x40x64xi32, #tpu.memory_space<hbm>> -> memref<40x64xi32, #tpu.memory_space<hbm>>
        tpu.enqueue_dma source(%dma_start3A_59 : memref<40x64xi32, #tpu.memory_space<hbm>>) target(%arg7 : memref<40x64xi32, #tpu.memory_space<vmem>>) target_semaphore(%run_scoped3A : memref<!tpu.dma_semaphore, #tpu.memory_space<semaphore_mem>>)
        %dma_wait3A = arith.constant 0 : i32
        %dma_wait3A_60 = arith.constant 0 : i32
        %dma_wait3A_61 = tpu.memref_slice %arg3[%add3A, %add3A_19, %dma_wait3A, %dma_wait3A_60] : memref<32x4x40x64xi32, #tpu.memory_space<hbm>> -> memref<1x1x40x64xi32, #tpu.memory_space<hbm>>
        %dma_wait3A_62 = tpu.memref_squeeze %dma_wait3A_61 : memref<1x1x40x64xi32, #tpu.memory_space<hbm>> -> memref<40x64xi32, #tpu.memory_space<hbm>>
        %dma_wait3A_63 = arith.constant 0 : i32
        %dma_wait3A_64 = arith.constant 0 : i32
        %dma_wait3A_65 = tpu.memref_slice %arg3[%add3A, %add3A_19, %dma_wait3A_63, %dma_wait3A_64] : memref<32x4x40x64xi32, #tpu.memory_space<hbm>> -> memref<1x1x40x64xi32, #tpu.memory_space<hbm>>
        %dma_wait3A_66 = tpu.memref_squeeze %dma_wait3A_65 : memref<1x1x40x64xi32, #tpu.memory_space<hbm>> -> memref<40x64xi32, #tpu.memory_space<hbm>>
        tpu.wait_dma2 semaphore(%run_scoped3A : memref<!tpu.dma_semaphore, #tpu.memory_space<semaphore_mem>>) src(%dma_wait3A_66 : memref<40x64xi32, #tpu.memory_space<hbm>>) dst(%arg7 : memref<40x64xi32, #tpu.memory_space<vmem>>)
        tpu.yield
      }) : () -> ()
      "tpu.region"() ({
        %run_scoped3A = tpu.sem_alloc : memref<!tpu.dma_semaphore, #tpu.memory_space<semaphore_mem>>
        %dma_start3A_52 = arith.constant 0 : i32
        %dma_start3A_53 = arith.constant 0 : i32
        %dma_start3A_54 = tpu.memref_slice %arg4[%add3A, %add3A_19, %dma_start3A_52, %dma_start3A_53] : memref<32x4x40x64xi32, #tpu.memory_space<hbm>> -> memref<1x1x40x64xi32, #tpu.memory_space<hbm>>
        %dma_start3A_55 = tpu.memref_squeeze %dma_start3A_54 : memref<1x1x40x64xi32, #tpu.memory_space<hbm>> -> memref<40x64xi32, #tpu.memory_space<hbm>>
        %dma_start3A_56 = arith.constant 0 : i32
        %dma_start3A_57 = arith.constant 0 : i32
        %dma_start3A_58 = tpu.memref_slice %arg4[%add3A, %add3A_19, %dma_start3A_56, %dma_start3A_57] : memref<32x4x40x64xi32, #tpu.memory_space<hbm>> -> memref<1x1x40x64xi32, #tpu.memory_space<hbm>>
        %dma_start3A_59 = tpu.memref_squeeze %dma_start3A_58 : memref<1x1x40x64xi32, #tpu.memory_space<hbm>> -> memref<40x64xi32, #tpu.memory_space<hbm>>
        tpu.enqueue_dma source(%dma_start3A_59 : memref<40x64xi32, #tpu.memory_space<hbm>>) target(%arg8 : memref<40x64xi32, #tpu.memory_space<vmem>>) target_semaphore(%run_scoped3A : memref<!tpu.dma_semaphore, #tpu.memory_space<semaphore_mem>>)
        %dma_wait3A = arith.constant 0 : i32
        %dma_wait3A_60 = arith.constant 0 : i32
        %dma_wait3A_61 = tpu.memref_slice %arg4[%add3A, %add3A_19, %dma_wait3A, %dma_wait3A_60] : memref<32x4x40x64xi32, #tpu.memory_space<hbm>> -> memref<1x1x40x64xi32, #tpu.memory_space<hbm>>
        %dma_wait3A_62 = tpu.memref_squeeze %dma_wait3A_61 : memref<1x1x40x64xi32, #tpu.memory_space<hbm>> -> memref<40x64xi32, #tpu.memory_space<hbm>>
        %dma_wait3A_63 = arith.constant 0 : i32
        %dma_wait3A_64 = arith.constant 0 : i32
        %dma_wait3A_65 = tpu.memref_slice %arg4[%add3A, %add3A_19, %dma_wait3A_63, %dma_wait3A_64] : memref<32x4x40x64xi32, #tpu.memory_space<hbm>> -> memref<1x1x40x64xi32, #tpu.memory_space<hbm>>
        %dma_wait3A_66 = tpu.memref_squeeze %dma_wait3A_65 : memref<1x1x40x64xi32, #tpu.memory_space<hbm>> -> memref<40x64xi32, #tpu.memory_space<hbm>>
        tpu.wait_dma2 semaphore(%run_scoped3A : memref<!tpu.dma_semaphore, #tpu.memory_space<semaphore_mem>>) src(%dma_wait3A_66 : memref<40x64xi32, #tpu.memory_space<hbm>>) dst(%arg8 : memref<40x64xi32, #tpu.memory_space<vmem>>)
        tpu.yield
      }) : () -> ()
      %dma_start3A = arith.constant 0 : i32
      %dma_start3A_20 = arith.constant 0 : i32
      %dma_start3A_21 = tpu.memref_slice %arg7[%dma_start3A, %dma_start3A_20] : memref<40x64xi32, #tpu.memory_space<vmem>> -> memref<1x64xi32, #tpu.memory_space<vmem>>
      %dma_start3A_22 = tpu.memref_squeeze %dma_start3A_21 : memref<1x64xi32, #tpu.memory_space<vmem>> -> memref<64xi32, #tpu.memory_space<vmem>>
      %dma_start3A_23 = arith.constant 0 : i32
      %dma_start3A_24 = arith.constant 0 : i32
      %dma_start3A_25 = tpu.memref_slice %arg2[%dma_start3A_23, %dma_start3A_24] : memref<80000x128xf32, #tpu.memory_space<hbm>> -> memref<80000x128xf32, #tpu.memory_space<hbm>>
      tpu.enqueue_indirect_dma source(%dma_start3A_25 : memref<80000x128xf32, #tpu.memory_space<hbm>>) target(%arg9 : memref<64x128xf32, #tpu.memory_space<vmem>>) offsets(%dma_start3A_22 : memref<64xi32, #tpu.memory_space<vmem>>) semaphore(%arg15 : memref<!tpu.dma_semaphore, #tpu.memory_space<semaphore_mem>>)
      %dma_start3A_26 = arith.constant 1 : i32
      %dma_start3A_27 = arith.constant 0 : i32
      %dma_start3A_28 = tpu.memref_slice %arg7[%dma_start3A_26, %dma_start3A_27] : memref<40x64xi32, #tpu.memory_space<vmem>> -> memref<1x64xi32, #tpu.memory_space<vmem>>
      %dma_start3A_29 = tpu.memref_squeeze %dma_start3A_28 : memref<1x64xi32, #tpu.memory_space<vmem>> -> memref<64xi32, #tpu.memory_space<vmem>>
      %dma_start3A_30 = arith.constant 0 : i32
      %dma_start3A_31 = arith.constant 0 : i32
      %dma_start3A_32 = tpu.memref_slice %arg2[%dma_start3A_30, %dma_start3A_31] : memref<80000x128xf32, #tpu.memory_space<hbm>> -> memref<80000x128xf32, #tpu.memory_space<hbm>>
      tpu.enqueue_indirect_dma source(%dma_start3A_32 : memref<80000x128xf32, #tpu.memory_space<hbm>>) target(%arg10 : memref<64x128xf32, #tpu.memory_space<vmem>>) offsets(%dma_start3A_29 : memref<64xi32, #tpu.memory_space<vmem>>) semaphore(%arg16 : memref<!tpu.dma_semaphore, #tpu.memory_space<semaphore_mem>>)
      %dma_start3A_33 = arith.constant 2 : i32
      %dma_start3A_34 = arith.constant 0 : i32
      %dma_start3A_35 = tpu.memref_slice %arg7[%dma_start3A_33, %dma_start3A_34] : memref<40x64xi32, #tpu.memory_space<vmem>> -> memref<1x64xi32, #tpu.memory_space<vmem>>
      %dma_start3A_36 = tpu.memref_squeeze %dma_start3A_35 : memref<1x64xi32, #tpu.memory_space<vmem>> -> memref<64xi32, #tpu.memory_space<vmem>>
      %dma_start3A_37 = arith.constant 0 : i32
      %dma_start3A_38 = arith.constant 0 : i32
      %dma_start3A_39 = tpu.memref_slice %arg2[%dma_start3A_37, %dma_start3A_38] : memref<80000x128xf32, #tpu.memory_space<hbm>> -> memref<80000x128xf32, #tpu.memory_space<hbm>>
      tpu.enqueue_indirect_dma source(%dma_start3A_39 : memref<80000x128xf32, #tpu.memory_space<hbm>>) target(%arg11 : memref<64x128xf32, #tpu.memory_space<vmem>>) offsets(%dma_start3A_36 : memref<64xi32, #tpu.memory_space<vmem>>) semaphore(%arg17 : memref<!tpu.dma_semaphore, #tpu.memory_space<semaphore_mem>>)
      %dma_start3A_40 = arith.constant 3 : i32
      %dma_start3A_41 = arith.constant 0 : i32
      %dma_start3A_42 = tpu.memref_slice %arg7[%dma_start3A_40, %dma_start3A_41] : memref<40x64xi32, #tpu.memory_space<vmem>> -> memref<1x64xi32, #tpu.memory_space<vmem>>
      %dma_start3A_43 = tpu.memref_squeeze %dma_start3A_42 : memref<1x64xi32, #tpu.memory_space<vmem>> -> memref<64xi32, #tpu.memory_space<vmem>>
      %dma_start3A_44 = arith.constant 0 : i32
      %dma_start3A_45 = arith.constant 0 : i32
      %dma_start3A_46 = tpu.memref_slice %arg2[%dma_start3A_44, %dma_start3A_45] : memref<80000x128xf32, #tpu.memory_space<hbm>> -> memref<80000x128xf32, #tpu.memory_space<hbm>>
      tpu.enqueue_indirect_dma source(%dma_start3A_46 : memref<80000x128xf32, #tpu.memory_space<hbm>>) target(%arg12 : memref<64x128xf32, #tpu.memory_space<vmem>>) offsets(%dma_start3A_43 : memref<64xi32, #tpu.memory_space<vmem>>) semaphore(%arg18 : memref<!tpu.dma_semaphore, #tpu.memory_space<semaphore_mem>>)
      %scan3A_47 = arith.constant 0 : i32
      %scan3A_48 = arith.constant 10 : i32
      %scan3A_49 = arith.addi %scan3A_47, %scan3A_48 : i32
      %scan3A_50 = arith.constant 1 : i32
      scf.for %scan3A_52 = %scan3A_47 to %scan3A_49 step %scan3A_50  : i32 {
        %mul3A_53 = arith.constant 1 : i32
        %mul3A_54 = arith.muli %scan3A_52, %mul3A_53 : i32
        %add3A_55 = arith.constant 0 : i32
        %add3A_56 = arith.addi %add3A_55, %mul3A_54 : i32
        %mul3A_57 = arith.constant 4 : i32
        %mul3A_58 = arith.muli %add3A_56, %mul3A_57 : i32
        %add3A_59 = arith.constant 0 : i32
        %add3A_60 = arith.addi %mul3A_58, %add3A_59 : i32
        %dma_wait3A = arith.constant 0 : i32
        %dma_wait3A_61 = tpu.memref_slice %arg7[%add3A_60, %dma_wait3A] : memref<40x64xi32, #tpu.memory_space<vmem>> -> memref<1x64xi32, #tpu.memory_space<vmem>>
        %dma_wait3A_62 = tpu.memref_squeeze %dma_wait3A_61 : memref<1x64xi32, #tpu.memory_space<vmem>> -> memref<64xi32, #tpu.memory_space<vmem>>
        %dma_wait3A_63 = arith.constant 0 : i32
        %dma_wait3A_64 = arith.constant 0 : i32
        %dma_wait3A_65 = tpu.memref_slice %arg2[%dma_wait3A_63, %dma_wait3A_64] : memref<80000x128xf32, #tpu.memory_space<hbm>> -> memref<80000x128xf32, #tpu.memory_space<hbm>>
        tpu.wait_indirect_dma semaphore(%arg15 : memref<!tpu.dma_semaphore, #tpu.memory_space<semaphore_mem>>) src(%dma_wait3A_65 : memref<80000x128xf32, #tpu.memory_space<hbm>>) dst(%arg9 : memref<64x128xf32, #tpu.memory_space<vmem>>)
        %add3A_66 = arith.constant 0 : i32
        %add3A_67 = arith.addi %mul3A_58, %add3A_66 : i32
        "tpu.region"() ({
          %run_scoped3A = tpu.sem_alloc : memref<!tpu.dma_semaphore, #tpu.memory_space<semaphore_mem>>
          %dma_start3A_131 = arith.constant 0 : i32
          %dma_start3A_132 = tpu.memref_slice %arg8[%add3A_67, %dma_start3A_131] : memref<40x64xi32, #tpu.memory_space<vmem>> -> memref<1x64xi32, #tpu.memory_space<vmem>>
          %dma_start3A_133 = tpu.memref_squeeze %dma_start3A_132 : memref<1x64xi32, #tpu.memory_space<vmem>> -> memref<64xi32, #tpu.memory_space<vmem>>
          %dma_start3A_134 = arith.constant 0 : i32
          %dma_start3A_135 = arith.constant 0 : i32
          %dma_start3A_136 = tpu.memref_slice %arg14[%dma_start3A_134, %dma_start3A_135] : memref<10240x128xf32, #tpu.memory_space<vmem_shared>> -> memref<10240x128xf32, #tpu.memory_space<vmem_shared>>
          tpu.enqueue_indirect_dma source(%arg9 : memref<64x128xf32, #tpu.memory_space<vmem>>) target(%dma_start3A_136 : memref<10240x128xf32, #tpu.memory_space<vmem_shared>>) offsets(%dma_start3A_133 : memref<64xi32, #tpu.memory_space<vmem>>) semaphore(%run_scoped3A : memref<!tpu.dma_semaphore, #tpu.memory_space<semaphore_mem>>) {add = true}
          %dma_wait3A_137 = arith.constant 0 : i32
          %dma_wait3A_138 = tpu.memref_slice %arg8[%add3A_67, %dma_wait3A_137] : memref<40x64xi32, #tpu.memory_space<vmem>> -> memref<1x64xi32, #tpu.memory_space<vmem>>
          %dma_wait3A_139 = tpu.memref_squeeze %dma_wait3A_138 : memref<1x64xi32, #tpu.memory_space<vmem>> -> memref<64xi32, #tpu.memory_space<vmem>>
          %dma_wait3A_140 = arith.constant 0 : i32
          %dma_wait3A_141 = arith.constant 0 : i32
          %dma_wait3A_142 = tpu.memref_slice %arg14[%dma_wait3A_140, %dma_wait3A_141] : memref<10240x128xf32, #tpu.memory_space<vmem_shared>> -> memref<10240x128xf32, #tpu.memory_space<vmem_shared>>
          tpu.wait_indirect_dma semaphore(%run_scoped3A : memref<!tpu.dma_semaphore, #tpu.memory_space<semaphore_mem>>) src(%arg9 : memref<64x128xf32, #tpu.memory_space<vmem>>) dst(%dma_wait3A_142 : memref<10240x128xf32, #tpu.memory_space<vmem_shared>>)
          tpu.yield
        }) : () -> ()
        %add3A_68 = arith.constant 0 : i32
        %add3A_69 = arith.addi %mul3A_58, %add3A_68 : i32
        %add3A_70 = arith.constant 4 : i32
        %add3A_71 = arith.addi %add3A_69, %add3A_70 : i32
        %lt3A = arith.constant 40 : i32
        %lt3A_72 = arith.cmpi slt, %add3A_71, %lt3A : i32
        %convert_element_type3A = arith.extui %lt3A_72 : i1 to i32
        %cond3A = arith.constant 0 : i32
        %cond3A_73 = arith.cmpi ne, %convert_element_type3A, %cond3A : i32
        scf.if %cond3A_73 {
          %add3A_131 = arith.constant 0 : i32
          %add3A_132 = arith.addi %mul3A_58, %add3A_131 : i32
          %add3A_133 = arith.constant 4 : i32
          %add3A_134 = arith.addi %add3A_132, %add3A_133 : i32
          %dma_start3A_135 = arith.constant 0 : i32
          %dma_start3A_136 = tpu.memref_slice %arg7[%add3A_134, %dma_start3A_135] : memref<40x64xi32, #tpu.memory_space<vmem>> -> memref<1x64xi32, #tpu.memory_space<vmem>>
          %dma_start3A_137 = tpu.memref_squeeze %dma_start3A_136 : memref<1x64xi32, #tpu.memory_space<vmem>> -> memref<64xi32, #tpu.memory_space<vmem>>
          %dma_start3A_138 = arith.constant 0 : i32
          %dma_start3A_139 = arith.constant 0 : i32
          %dma_start3A_140 = tpu.memref_slice %arg2[%dma_start3A_138, %dma_start3A_139] : memref<80000x128xf32, #tpu.memory_space<hbm>> -> memref<80000x128xf32, #tpu.memory_space<hbm>>
          tpu.enqueue_indirect_dma source(%dma_start3A_140 : memref<80000x128xf32, #tpu.memory_space<hbm>>) target(%arg9 : memref<64x128xf32, #tpu.memory_space<vmem>>) offsets(%dma_start3A_137 : memref<64xi32, #tpu.memory_space<vmem>>) semaphore(%arg15 : memref<!tpu.dma_semaphore, #tpu.memory_space<semaphore_mem>>)
        } else {
        }
        %add3A_74 = arith.constant 1 : i32
        %add3A_75 = arith.addi %mul3A_58, %add3A_74 : i32
        %dma_wait3A_76 = arith.constant 0 : i32
        %dma_wait3A_77 = tpu.memref_slice %arg7[%add3A_75, %dma_wait3A_76] : memref<40x64xi32, #tpu.memory_space<vmem>> -> memref<1x64xi32, #tpu.memory_space<vmem>>
        %dma_wait3A_78 = tpu.memref_squeeze %dma_wait3A_77 : memref<1x64xi32, #tpu.memory_space<vmem>> -> memref<64xi32, #tpu.memory_space<vmem>>
        %dma_wait3A_79 = arith.constant 0 : i32
        %dma_wait3A_80 = arith.constant 0 : i32
        %dma_wait3A_81 = tpu.memref_slice %arg2[%dma_wait3A_79, %dma_wait3A_80] : memref<80000x128xf32, #tpu.memory_space<hbm>> -> memref<80000x128xf32, #tpu.memory_space<hbm>>
        tpu.wait_indirect_dma semaphore(%arg16 : memref<!tpu.dma_semaphore, #tpu.memory_space<semaphore_mem>>) src(%dma_wait3A_81 : memref<80000x128xf32, #tpu.memory_space<hbm>>) dst(%arg10 : memref<64x128xf32, #tpu.memory_space<vmem>>)
        %add3A_82 = arith.constant 1 : i32
        %add3A_83 = arith.addi %mul3A_58, %add3A_82 : i32
        "tpu.region"() ({
          %run_scoped3A = tpu.sem_alloc : memref<!tpu.dma_semaphore, #tpu.memory_space<semaphore_mem>>
          %dma_start3A_131 = arith.constant 0 : i32
          %dma_start3A_132 = tpu.memref_slice %arg8[%add3A_83, %dma_start3A_131] : memref<40x64xi32, #tpu.memory_space<vmem>> -> memref<1x64xi32, #tpu.memory_space<vmem>>
          %dma_start3A_133 = tpu.memref_squeeze %dma_start3A_132 : memref<1x64xi32, #tpu.memory_space<vmem>> -> memref<64xi32, #tpu.memory_space<vmem>>
          %dma_start3A_134 = arith.constant 0 : i32
          %dma_start3A_135 = arith.constant 0 : i32
          %dma_start3A_136 = tpu.memref_slice %arg14[%dma_start3A_134, %dma_start3A_135] : memref<10240x128xf32, #tpu.memory_space<vmem_shared>> -> memref<10240x128xf32, #tpu.memory_space<vmem_shared>>
          tpu.enqueue_indirect_dma source(%arg10 : memref<64x128xf32, #tpu.memory_space<vmem>>) target(%dma_start3A_136 : memref<10240x128xf32, #tpu.memory_space<vmem_shared>>) offsets(%dma_start3A_133 : memref<64xi32, #tpu.memory_space<vmem>>) semaphore(%run_scoped3A : memref<!tpu.dma_semaphore, #tpu.memory_space<semaphore_mem>>) {add = true}
          %dma_wait3A_137 = arith.constant 0 : i32
          %dma_wait3A_138 = tpu.memref_slice %arg8[%add3A_83, %dma_wait3A_137] : memref<40x64xi32, #tpu.memory_space<vmem>> -> memref<1x64xi32, #tpu.memory_space<vmem>>
          %dma_wait3A_139 = tpu.memref_squeeze %dma_wait3A_138 : memref<1x64xi32, #tpu.memory_space<vmem>> -> memref<64xi32, #tpu.memory_space<vmem>>
          %dma_wait3A_140 = arith.constant 0 : i32
          %dma_wait3A_141 = arith.constant 0 : i32
          %dma_wait3A_142 = tpu.memref_slice %arg14[%dma_wait3A_140, %dma_wait3A_141] : memref<10240x128xf32, #tpu.memory_space<vmem_shared>> -> memref<10240x128xf32, #tpu.memory_space<vmem_shared>>
          tpu.wait_indirect_dma semaphore(%run_scoped3A : memref<!tpu.dma_semaphore, #tpu.memory_space<semaphore_mem>>) src(%arg10 : memref<64x128xf32, #tpu.memory_space<vmem>>) dst(%dma_wait3A_142 : memref<10240x128xf32, #tpu.memory_space<vmem_shared>>)
          tpu.yield
        }) : () -> ()
        %add3A_84 = arith.constant 1 : i32
        %add3A_85 = arith.addi %mul3A_58, %add3A_84 : i32
        %add3A_86 = arith.constant 4 : i32
        %add3A_87 = arith.addi %add3A_85, %add3A_86 : i32
        %lt3A_88 = arith.constant 40 : i32
        %lt3A_89 = arith.cmpi slt, %add3A_87, %lt3A_88 : i32
        %convert_element_type3A_90 = arith.extui %lt3A_89 : i1 to i32
        %cond3A_91 = arith.constant 0 : i32
        %cond3A_92 = arith.cmpi ne, %convert_element_type3A_90, %cond3A_91 : i32
        scf.if %cond3A_92 {
          %add3A_131 = arith.constant 1 : i32
          %add3A_132 = arith.addi %mul3A_58, %add3A_131 : i32
          %add3A_133 = arith.constant 4 : i32
          %add3A_134 = arith.addi %add3A_132, %add3A_133 : i32
          %dma_start3A_135 = arith.constant 0 : i32
          %dma_start3A_136 = tpu.memref_slice %arg7[%add3A_134, %dma_start3A_135] : memref<40x64xi32, #tpu.memory_space<vmem>> -> memref<1x64xi32, #tpu.memory_space<vmem>>
          %dma_start3A_137 = tpu.memref_squeeze %dma_start3A_136 : memref<1x64xi32, #tpu.memory_space<vmem>> -> memref<64xi32, #tpu.memory_space<vmem>>
          %dma_start3A_138 = arith.constant 0 : i32
          %dma_start3A_139 = arith.constant 0 : i32
          %dma_start3A_140 = tpu.memref_slice %arg2[%dma_start3A_138, %dma_start3A_139] : memref<80000x128xf32, #tpu.memory_space<hbm>> -> memref<80000x128xf32, #tpu.memory_space<hbm>>
          tpu.enqueue_indirect_dma source(%dma_start3A_140 : memref<80000x128xf32, #tpu.memory_space<hbm>>) target(%arg10 : memref<64x128xf32, #tpu.memory_space<vmem>>) offsets(%dma_start3A_137 : memref<64xi32, #tpu.memory_space<vmem>>) semaphore(%arg16 : memref<!tpu.dma_semaphore, #tpu.memory_space<semaphore_mem>>)
        } else {
        }
        %add3A_93 = arith.constant 2 : i32
        %add3A_94 = arith.addi %mul3A_58, %add3A_93 : i32
        %dma_wait3A_95 = arith.constant 0 : i32
        %dma_wait3A_96 = tpu.memref_slice %arg7[%add3A_94, %dma_wait3A_95] : memref<40x64xi32, #tpu.memory_space<vmem>> -> memref<1x64xi32, #tpu.memory_space<vmem>>
        %dma_wait3A_97 = tpu.memref_squeeze %dma_wait3A_96 : memref<1x64xi32, #tpu.memory_space<vmem>> -> memref<64xi32, #tpu.memory_space<vmem>>
        %dma_wait3A_98 = arith.constant 0 : i32
        %dma_wait3A_99 = arith.constant 0 : i32
        %dma_wait3A_100 = tpu.memref_slice %arg2[%dma_wait3A_98, %dma_wait3A_99] : memref<80000x128xf32, #tpu.memory_space<hbm>> -> memref<80000x128xf32, #tpu.memory_space<hbm>>
        tpu.wait_indirect_dma semaphore(%arg17 : memref<!tpu.dma_semaphore, #tpu.memory_space<semaphore_mem>>) src(%dma_wait3A_100 : memref<80000x128xf32, #tpu.memory_space<hbm>>) dst(%arg11 : memref<64x128xf32, #tpu.memory_space<vmem>>)
        %add3A_101 = arith.constant 2 : i32
        %add3A_102 = arith.addi %mul3A_58, %add3A_101 : i32
        "tpu.region"() ({
          %run_scoped3A = tpu.sem_alloc : memref<!tpu.dma_semaphore, #tpu.memory_space<semaphore_mem>>
          %dma_start3A_131 = arith.constant 0 : i32
          %dma_start3A_132 = tpu.memref_slice %arg8[%add3A_102, %dma_start3A_131] : memref<40x64xi32, #tpu.memory_space<vmem>> -> memref<1x64xi32, #tpu.memory_space<vmem>>
          %dma_start3A_133 = tpu.memref_squeeze %dma_start3A_132 : memref<1x64xi32, #tpu.memory_space<vmem>> -> memref<64xi32, #tpu.memory_space<vmem>>
          %dma_start3A_134 = arith.constant 0 : i32
          %dma_start3A_135 = arith.constant 0 : i32
          %dma_start3A_136 = tpu.memref_slice %arg14[%dma_start3A_134, %dma_start3A_135] : memref<10240x128xf32, #tpu.memory_space<vmem_shared>> -> memref<10240x128xf32, #tpu.memory_space<vmem_shared>>
          tpu.enqueue_indirect_dma source(%arg11 : memref<64x128xf32, #tpu.memory_space<vmem>>) target(%dma_start3A_136 : memref<10240x128xf32, #tpu.memory_space<vmem_shared>>) offsets(%dma_start3A_133 : memref<64xi32, #tpu.memory_space<vmem>>) semaphore(%run_scoped3A : memref<!tpu.dma_semaphore, #tpu.memory_space<semaphore_mem>>) {add = true}
          %dma_wait3A_137 = arith.constant 0 : i32
          %dma_wait3A_138 = tpu.memref_slice %arg8[%add3A_102, %dma_wait3A_137] : memref<40x64xi32, #tpu.memory_space<vmem>> -> memref<1x64xi32, #tpu.memory_space<vmem>>
          %dma_wait3A_139 = tpu.memref_squeeze %dma_wait3A_138 : memref<1x64xi32, #tpu.memory_space<vmem>> -> memref<64xi32, #tpu.memory_space<vmem>>
          %dma_wait3A_140 = arith.constant 0 : i32
          %dma_wait3A_141 = arith.constant 0 : i32
          %dma_wait3A_142 = tpu.memref_slice %arg14[%dma_wait3A_140, %dma_wait3A_141] : memref<10240x128xf32, #tpu.memory_space<vmem_shared>> -> memref<10240x128xf32, #tpu.memory_space<vmem_shared>>
          tpu.wait_indirect_dma semaphore(%run_scoped3A : memref<!tpu.dma_semaphore, #tpu.memory_space<semaphore_mem>>) src(%arg11 : memref<64x128xf32, #tpu.memory_space<vmem>>) dst(%dma_wait3A_142 : memref<10240x128xf32, #tpu.memory_space<vmem_shared>>)
          tpu.yield
        }) : () -> ()
        %add3A_103 = arith.constant 2 : i32
        %add3A_104 = arith.addi %mul3A_58, %add3A_103 : i32
        %add3A_105 = arith.constant 4 : i32
        %add3A_106 = arith.addi %add3A_104, %add3A_105 : i32
        %lt3A_107 = arith.constant 40 : i32
        %lt3A_108 = arith.cmpi slt, %add3A_106, %lt3A_107 : i32
        %convert_element_type3A_109 = arith.extui %lt3A_108 : i1 to i32
        %cond3A_110 = arith.constant 0 : i32
        %cond3A_111 = arith.cmpi ne, %convert_element_type3A_109, %cond3A_110 : i32
        scf.if %cond3A_111 {
          %add3A_131 = arith.constant 2 : i32
          %add3A_132 = arith.addi %mul3A_58, %add3A_131 : i32
          %add3A_133 = arith.constant 4 : i32
          %add3A_134 = arith.addi %add3A_132, %add3A_133 : i32
          %dma_start3A_135 = arith.constant 0 : i32
          %dma_start3A_136 = tpu.memref_slice %arg7[%add3A_134, %dma_start3A_135] : memref<40x64xi32, #tpu.memory_space<vmem>> -> memref<1x64xi32, #tpu.memory_space<vmem>>
          %dma_start3A_137 = tpu.memref_squeeze %dma_start3A_136 : memref<1x64xi32, #tpu.memory_space<vmem>> -> memref<64xi32, #tpu.memory_space<vmem>>
          %dma_start3A_138 = arith.constant 0 : i32
          %dma_start3A_139 = arith.constant 0 : i32
          %dma_start3A_140 = tpu.memref_slice %arg2[%dma_start3A_138, %dma_start3A_139] : memref<80000x128xf32, #tpu.memory_space<hbm>> -> memref<80000x128xf32, #tpu.memory_space<hbm>>
          tpu.enqueue_indirect_dma source(%dma_start3A_140 : memref<80000x128xf32, #tpu.memory_space<hbm>>) target(%arg11 : memref<64x128xf32, #tpu.memory_space<vmem>>) offsets(%dma_start3A_137 : memref<64xi32, #tpu.memory_space<vmem>>) semaphore(%arg17 : memref<!tpu.dma_semaphore, #tpu.memory_space<semaphore_mem>>)
        } else {
        }
        %add3A_112 = arith.constant 3 : i32
        %add3A_113 = arith.addi %mul3A_58, %add3A_112 : i32
        %dma_wait3A_114 = arith.constant 0 : i32
        %dma_wait3A_115 = tpu.memref_slice %arg7[%add3A_113, %dma_wait3A_114] : memref<40x64xi32, #tpu.memory_space<vmem>> -> memref<1x64xi32, #tpu.memory_space<vmem>>
        %dma_wait3A_116 = tpu.memref_squeeze %dma_wait3A_115 : memref<1x64xi32, #tpu.memory_space<vmem>> -> memref<64xi32, #tpu.memory_space<vmem>>
        %dma_wait3A_117 = arith.constant 0 : i32
        %dma_wait3A_118 = arith.constant 0 : i32
        %dma_wait3A_119 = tpu.memref_slice %arg2[%dma_wait3A_117, %dma_wait3A_118] : memref<80000x128xf32, #tpu.memory_space<hbm>> -> memref<80000x128xf32, #tpu.memory_space<hbm>>
        tpu.wait_indirect_dma semaphore(%arg18 : memref<!tpu.dma_semaphore, #tpu.memory_space<semaphore_mem>>) src(%dma_wait3A_119 : memref<80000x128xf32, #tpu.memory_space<hbm>>) dst(%arg12 : memref<64x128xf32, #tpu.memory_space<vmem>>)
        %add3A_120 = arith.constant 3 : i32
        %add3A_121 = arith.addi %mul3A_58, %add3A_120 : i32
        "tpu.region"() ({
          %run_scoped3A = tpu.sem_alloc : memref<!tpu.dma_semaphore, #tpu.memory_space<semaphore_mem>>
          %dma_start3A_131 = arith.constant 0 : i32
          %dma_start3A_132 = tpu.memref_slice %arg8[%add3A_121, %dma_start3A_131] : memref<40x64xi32, #tpu.memory_space<vmem>> -> memref<1x64xi32, #tpu.memory_space<vmem>>
          %dma_start3A_133 = tpu.memref_squeeze %dma_start3A_132 : memref<1x64xi32, #tpu.memory_space<vmem>> -> memref<64xi32, #tpu.memory_space<vmem>>
          %dma_start3A_134 = arith.constant 0 : i32
          %dma_start3A_135 = arith.constant 0 : i32
          %dma_start3A_136 = tpu.memref_slice %arg14[%dma_start3A_134, %dma_start3A_135] : memref<10240x128xf32, #tpu.memory_space<vmem_shared>> -> memref<10240x128xf32, #tpu.memory_space<vmem_shared>>
          tpu.enqueue_indirect_dma source(%arg12 : memref<64x128xf32, #tpu.memory_space<vmem>>) target(%dma_start3A_136 : memref<10240x128xf32, #tpu.memory_space<vmem_shared>>) offsets(%dma_start3A_133 : memref<64xi32, #tpu.memory_space<vmem>>) semaphore(%run_scoped3A : memref<!tpu.dma_semaphore, #tpu.memory_space<semaphore_mem>>) {add = true}
          %dma_wait3A_137 = arith.constant 0 : i32
          %dma_wait3A_138 = tpu.memref_slice %arg8[%add3A_121, %dma_wait3A_137] : memref<40x64xi32, #tpu.memory_space<vmem>> -> memref<1x64xi32, #tpu.memory_space<vmem>>
          %dma_wait3A_139 = tpu.memref_squeeze %dma_wait3A_138 : memref<1x64xi32, #tpu.memory_space<vmem>> -> memref<64xi32, #tpu.memory_space<vmem>>
          %dma_wait3A_140 = arith.constant 0 : i32
          %dma_wait3A_141 = arith.constant 0 : i32
          %dma_wait3A_142 = tpu.memref_slice %arg14[%dma_wait3A_140, %dma_wait3A_141] : memref<10240x128xf32, #tpu.memory_space<vmem_shared>> -> memref<10240x128xf32, #tpu.memory_space<vmem_shared>>
          tpu.wait_indirect_dma semaphore(%run_scoped3A : memref<!tpu.dma_semaphore, #tpu.memory_space<semaphore_mem>>) src(%arg12 : memref<64x128xf32, #tpu.memory_space<vmem>>) dst(%dma_wait3A_142 : memref<10240x128xf32, #tpu.memory_space<vmem_shared>>)
          tpu.yield
        }) : () -> ()
        %add3A_122 = arith.constant 3 : i32
        %add3A_123 = arith.addi %mul3A_58, %add3A_122 : i32
        %add3A_124 = arith.constant 4 : i32
        %add3A_125 = arith.addi %add3A_123, %add3A_124 : i32
        %lt3A_126 = arith.constant 40 : i32
        %lt3A_127 = arith.cmpi slt, %add3A_125, %lt3A_126 : i32
        %convert_element_type3A_128 = arith.extui %lt3A_127 : i1 to i32
        %cond3A_129 = arith.constant 0 : i32
        %cond3A_130 = arith.cmpi ne, %convert_element_type3A_128, %cond3A_129 : i32
        scf.if %cond3A_130 {
          %add3A_131 = arith.constant 3 : i32
          %add3A_132 = arith.addi %mul3A_58, %add3A_131 : i32
          %add3A_133 = arith.constant 4 : i32
          %add3A_134 = arith.addi %add3A_132, %add3A_133 : i32
          %dma_start3A_135 = arith.constant 0 : i32
          %dma_start3A_136 = tpu.memref_slice %arg7[%add3A_134, %dma_start3A_135] : memref<40x64xi32, #tpu.memory_space<vmem>> -> memref<1x64xi32, #tpu.memory_space<vmem>>
          %dma_start3A_137 = tpu.memref_squeeze %dma_start3A_136 : memref<1x64xi32, #tpu.memory_space<vmem>> -> memref<64xi32, #tpu.memory_space<vmem>>
          %dma_start3A_138 = arith.constant 0 : i32
          %dma_start3A_139 = arith.constant 0 : i32
          %dma_start3A_140 = tpu.memref_slice %arg2[%dma_start3A_138, %dma_start3A_139] : memref<80000x128xf32, #tpu.memory_space<hbm>> -> memref<80000x128xf32, #tpu.memory_space<hbm>>
          tpu.enqueue_indirect_dma source(%dma_start3A_140 : memref<80000x128xf32, #tpu.memory_space<hbm>>) target(%arg12 : memref<64x128xf32, #tpu.memory_space<vmem>>) offsets(%dma_start3A_137 : memref<64xi32, #tpu.memory_space<vmem>>) semaphore(%arg18 : memref<!tpu.dma_semaphore, #tpu.memory_space<semaphore_mem>>)
        } else {
        }
      }
      %scan3A_51 = arith.constant 10 : i32
    }
    %scan3A_9 = arith.constant 4 : i32
    %barrier3A_10 = arith.constant 0 : index
    tpu.barrier barrier_id(%barrier3A_10)
    %mul3A_11 = arith.constant 640 : i32
    %mul3A_12 = arith.muli %arg1, %mul3A_11 : i32
    %mul3A_13 = arith.constant 640 : i32
    %mul3A_14 = arith.muli %arg1, %mul3A_13 : i32
    "tpu.region"() ({
      %run_scoped3A = tpu.sem_alloc : memref<!tpu.dma_semaphore, #tpu.memory_space<semaphore_mem>>
      %dma_start3A = arith.constant 0 : i32
      %dma_start3A_15 = tpu.memref_slice %arg6[%arg0, %mul3A_14, %dma_start3A] : memref<2x10240x128xf32, #tpu.memory_space<hbm>> -> memref<1x640x128xf32, #tpu.memory_space<hbm>>
      %dma_start3A_16 = tpu.memref_squeeze %dma_start3A_15 : memref<1x640x128xf32, #tpu.memory_space<hbm>> -> memref<640x128xf32, #tpu.memory_space<hbm>>
      %dma_start3A_17 = arith.constant 0 : i32
      %dma_start3A_18 = tpu.memref_slice %arg14[%mul3A_12, %dma_start3A_17] : memref<10240x128xf32, #tpu.memory_space<vmem_shared>> -> memref<640x128xf32, #tpu.memory_space<vmem_shared>>
      tpu.enqueue_dma source(%dma_start3A_18 : memref<640x128xf32, #tpu.memory_space<vmem_shared>>) target(%dma_start3A_16 : memref<640x128xf32, #tpu.memory_space<hbm>>) target_semaphore(%run_scoped3A : memref<!tpu.dma_semaphore, #tpu.memory_space<semaphore_mem>>)
      %dma_wait3A = arith.constant 0 : i32
      %dma_wait3A_19 = tpu.memref_slice %arg6[%arg0, %mul3A_14, %dma_wait3A] : memref<2x10240x128xf32, #tpu.memory_space<hbm>> -> memref<1x640x128xf32, #tpu.memory_space<hbm>>
      %dma_wait3A_20 = tpu.memref_squeeze %dma_wait3A_19 : memref<1x640x128xf32, #tpu.memory_space<hbm>> -> memref<640x128xf32, #tpu.memory_space<hbm>>
      %dma_wait3A_21 = arith.constant 0 : i32
      %dma_wait3A_22 = tpu.memref_slice %arg14[%mul3A_12, %dma_wait3A_21] : memref<10240x128xf32, #tpu.memory_space<vmem_shared>> -> memref<640x128xf32, #tpu.memory_space<vmem_shared>>
      tpu.wait_dma2 semaphore(%run_scoped3A : memref<!tpu.dma_semaphore, #tpu.memory_space<semaphore_mem>>) src(%dma_wait3A_22 : memref<640x128xf32, #tpu.memory_space<vmem_shared>>) dst(%dma_wait3A_20 : memref<640x128xf32, #tpu.memory_space<hbm>>)
      tpu.yield
    }) : () -> ()
    return
  }
}

module attributes {stable_mosaic.version = 14 : i64} {
  func.func @body(%arg0: i32, %arg1: memref<10000x128xf32, #tpu.memory_space<vmem>>, %arg2: memref<1x128x128xf32, #tpu.memory_space<vmem>>, %arg3: memref<128x128xf32, #tpu.memory_space<vmem>>, %arg4: memref<1x128xf32, #tpu.memory_space<vmem>>, %arg5: memref<1x10000x128xf32, #tpu.memory_space<vmem>>, %arg6: memref<10000x128xf32, #tpu.memory_space<vmem>>) attributes {dimension_semantics = [#tpu.dimension_semantics<arbitrary>], iteration_bounds = array<i64: 8>, scalar_prefetch = 0 : i64, scratch_operands = 0 : i64, tpu.core_type = #tpu.core_type<tc>, window_params = [{pipeline_mode = #tpu.pipeline_mode<synchronous>, transform_indices = @transform_0, window_bounds = array<i64: 10000, 128>}, {transform_indices = @transform_1, window_bounds = array<i64: 1, 128, 128>}, {pipeline_mode = #tpu.pipeline_mode<synchronous>, transform_indices = @transform_2, window_bounds = array<i64: 128, 128>}, {pipeline_mode = #tpu.pipeline_mode<synchronous>, transform_indices = @transform_3, window_bounds = array<i64: 1, 128>}, {transform_indices = @transform_4, window_bounds = array<i64: 1, 10000, 128>}, {pipeline_mode = #tpu.pipeline_mode<synchronous>, transform_indices = @transform_5, window_bounds = array<i64: 10000, 128>}]} {
    %get3A = arith.constant 0 : index
    %get3A_0 = arith.constant 0 : index
    %get3A_1 = vector.load %arg1[%get3A, %get3A_0] : memref<10000x128xf32, #tpu.memory_space<vmem>>, vector<10000x128xf32>
    %convert_element_type3A = arith.truncf %get3A_1 : vector<10000x128xf32> to vector<10000x128xbf16>
    %get3A_2 = arith.constant 0 : index
    %get3A_3 = arith.constant 0 : index
    %get3A_4 = arith.constant 0 : index
    %get3A_5 = vector.load %arg2[%get3A_2, %get3A_3, %get3A_4] : memref<1x128x128xf32, #tpu.memory_space<vmem>>, vector<1x128x128xf32>
    %get3A_6 = vector.shape_cast %get3A_5 : vector<1x128x128xf32> to vector<128x128xf32>
    %convert_element_type3A_7 = arith.truncf %get3A_6 : vector<128x128xf32> to vector<128x128xbf16>
    %dot_general3A = arith.constant dense<0.000000e+00> : vector<10000x128xf32>
    %dot_general3A_8 = tpu.matmul %convert_element_type3A, %convert_element_type3A_7, %dot_general3A {dimension_numbers = #tpu.dot_dimension_numbers<[1], [0], [0], [1], [0, 0, 1, 1], [], []>, transpose_lhs_hint = false} : vector<10000x128xbf16>, vector<128x128xbf16>, vector<10000x128xf32> -> vector<10000x128xf32>
    %swap3A = arith.constant 0 : index
    %swap3A_9 = arith.constant 0 : index
    %swap3A_10 = arith.constant 0 : index
    %swap3A_11 = vector.load %arg5[%swap3A, %swap3A_9, %swap3A_10] : memref<1x10000x128xf32, #tpu.memory_space<vmem>>, vector<1x10000x128xf32>
    %swap3A_12 = vector.shape_cast %swap3A_11 : vector<1x10000x128xf32> to vector<10000x128xf32>
    %swap3A_13 = vector.shape_cast %dot_general3A_8 : vector<10000x128xf32> to vector<1x10000x128xf32>
    tpu.vector_store %arg5[%swap3A, %swap3A_9, %swap3A_10], %swap3A_13 {strides = array<i32>} : memref<1x10000x128xf32, #tpu.memory_space<vmem>>, vector<1x10000x128xf32>,
    %eq3A = arith.constant 0 : i32
    %eq3A_14 = arith.cmpi eq, %arg0, %eq3A : i32
    %convert_element_type3A_15 = arith.extui %eq3A_14 : i1 to i32
    %cond3A = arith.constant 0 : i32
    %cond3A_16 = arith.cmpi ne, %convert_element_type3A_15, %cond3A : i32
    scf.if %cond3A_16 {
      %get3A_17 = arith.constant 0 : index
      %get3A_18 = arith.constant 0 : index
      %get3A_19 = vector.load %arg3[%get3A_17, %get3A_18] : memref<128x128xf32, #tpu.memory_space<vmem>>, vector<128x128xf32>
      %convert_element_type3A_20 = arith.truncf %get3A_19 : vector<128x128xf32> to vector<128x128xbf16>
      %dot_general3A_21 = arith.constant dense<0.000000e+00> : vector<10000x128xf32>
      %dot_general3A_22 = tpu.matmul %convert_element_type3A, %convert_element_type3A_20, %dot_general3A_21 {dimension_numbers = #tpu.dot_dimension_numbers<[1], [0], [0], [1], [0, 0, 1, 1], [], []>, transpose_lhs_hint = false} : vector<10000x128xbf16>, vector<128x128xbf16>, vector<10000x128xf32> -> vector<10000x128xf32>
      %get3A_23 = arith.constant 0 : index
      %get3A_24 = arith.constant 0 : index
      %get3A_25 = vector.load %arg4[%get3A_23, %get3A_24] : memref<1x128xf32, #tpu.memory_space<vmem>>, vector<1x128xf32>
      %add3A = vector.broadcast %get3A_25 : vector<1x128xf32> to vector<10000x128xf32>
      %add3A_26 = arith.addf %dot_general3A_22, %add3A : vector<10000x128xf32>
      %swap3A_27 = arith.constant 0 : index
      %swap3A_28 = arith.constant 0 : index
      %swap3A_29 = vector.load %arg6[%swap3A_27, %swap3A_28] : memref<10000x128xf32, #tpu.memory_space<vmem>>, vector<10000x128xf32>
      tpu.vector_store %arg6[%swap3A_27, %swap3A_28], %add3A_26 {strides = array<i32>} : memref<10000x128xf32, #tpu.memory_space<vmem>>, vector<10000x128xf32>,
    } else {
    }
    return
  }
  func.func @transform_0(%arg0: i32) -> (i32, i32) {
    %c0_i32 = arith.constant 0 : i32
    %c0_i32_0 = arith.constant 0 : i32
    %c0_i32_1 = arith.constant 0 : i32
    return %c0_i32, %c0_i32_0 : i32, i32
  }
  func.func @transform_1(%arg0: i32) -> (i32, i32, i32) {
    %c0_i32 = arith.constant 0 : i32
    %c0_i32_0 = arith.constant 0 : i32
    %c0_i32_1 = arith.constant 0 : i32
    return %arg0, %c0_i32, %c0_i32_0 : i32, i32, i32
  }
  func.func @transform_2(%arg0: i32) -> (i32, i32) {
    %c0_i32 = arith.constant 0 : i32
    %c0_i32_0 = arith.constant 0 : i32
    %c0_i32_1 = arith.constant 0 : i32
    return %c0_i32, %c0_i32_0 : i32, i32
  }
  func.func @transform_3(%arg0: i32) -> (i32, i32) {
    %c0_i32 = arith.constant 0 : i32
    %c0_i32_0 = arith.constant 0 : i32
    %c0_i32_1 = arith.constant 0 : i32
    return %c0_i32, %c0_i32_0 : i32, i32
  }
  func.func @transform_4(%arg0: i32) -> (i32, i32, i32) {
    %c0_i32 = arith.constant 0 : i32
    %c0_i32_0 = arith.constant 0 : i32
    %c0_i32_1 = arith.constant 0 : i32
    return %arg0, %c0_i32, %c0_i32_0 : i32, i32, i32
  }
  func.func @transform_5(%arg0: i32) -> (i32, i32) {
    %c0_i32 = arith.constant 0 : i32
    %c0_i32_0 = arith.constant 0 : i32
    %c0_i32_1 = arith.constant 0 : i32
    return %c0_i32, %c0_i32_0 : i32, i32
  }
}

module attributes {stable_mosaic.version = 14 : i64} {
  func.func @body(%arg0: i32, %arg1: memref<2x10000x128xf32, #tpu.memory_space<vmem>>, %arg2: memref<10000x128xf32, #tpu.memory_space<vmem>>, %arg3: memref<1x128x128xf32, #tpu.memory_space<vmem>>, %arg4: memref<128x128xf32, #tpu.memory_space<vmem>>, %arg5: memref<1x128xf32, #tpu.memory_space<vmem>>, %arg6: memref<1x10000x128xf32, #tpu.memory_space<vmem>>, %arg7: memref<10000x128xf32, #tpu.memory_space<vmem>>, %arg8: memref<10000x128xbf16, #tpu.memory_space<vmem>>) attributes {dimension_semantics = [#tpu.dimension_semantics<arbitrary>], iteration_bounds = array<i64: 8>, scalar_prefetch = 0 : i64, scratch_operands = 1 : i64, tpu.core_type = #tpu.core_type<tc>, window_params = [{transform_indices = @transform_0, window_bounds = array<i64: 2, 10000, 128>}, {pipeline_mode = #tpu.pipeline_mode<synchronous>, transform_indices = @transform_1, window_bounds = array<i64: 10000, 128>}, {transform_indices = @transform_2, window_bounds = array<i64: 1, 128, 128>}, {pipeline_mode = #tpu.pipeline_mode<synchronous>, transform_indices = @transform_3, window_bounds = array<i64: 128, 128>}, {pipeline_mode = #tpu.pipeline_mode<synchronous>, transform_indices = @transform_4, window_bounds = array<i64: 1, 128>}, {transform_indices = @transform_5, window_bounds = array<i64: 1, 10000, 128>}, {pipeline_mode = #tpu.pipeline_mode<synchronous>, transform_indices = @transform_6, window_bounds = array<i64: 10000, 128>}]} {
    %eq3A = arith.constant 0 : i32
    %eq3A_0 = arith.cmpi eq, %arg0, %eq3A : i32
    %convert_element_type3A = arith.extui %eq3A_0 : i1 to i32
    %cond3A = arith.constant 0 : i32
    %cond3A_1 = arith.cmpi ne, %convert_element_type3A, %cond3A : i32
    scf.if %cond3A_1 {
      %get3A_21 = arith.constant 0 : index
      %get3A_22 = arith.constant 0 : index
      %get3A_23 = arith.constant 0 : index
      %get3A_24 = vector.load %arg1[%get3A_21, %get3A_22, %get3A_23] : memref<2x10000x128xf32, #tpu.memory_space<vmem>>, vector<1x10000x128xf32>
      %get3A_25 = vector.shape_cast %get3A_24 : vector<1x10000x128xf32> to vector<10000x128xf32>
      %get3A_26 = arith.constant 1 : index
      %get3A_27 = arith.constant 0 : index
      %get3A_28 = arith.constant 0 : index
      %get3A_29 = vector.load %arg1[%get3A_26, %get3A_27, %get3A_28] : memref<2x10000x128xf32, #tpu.memory_space<vmem>>, vector<1x10000x128xf32>
      %get3A_30 = vector.shape_cast %get3A_29 : vector<1x10000x128xf32> to vector<10000x128xf32>
      %add3A = arith.addf %get3A_25, %get3A_30 : vector<10000x128xf32>
      %get3A_31 = arith.constant 0 : index
      %get3A_32 = arith.constant 0 : index
      %get3A_33 = vector.load %arg2[%get3A_31, %get3A_32] : memref<10000x128xf32, #tpu.memory_space<vmem>>, vector<10000x128xf32>
      %add3A_34 = arith.addf %add3A, %get3A_33 : vector<10000x128xf32>
      %max3A = arith.constant 0.000000e+00 : f32
      %max3A_35 = vector.broadcast %max3A : f32 to vector<10000x128xf32>
      %max3A_36 = arith.maximumf %add3A_34, %max3A_35 : vector<10000x128xf32>
      %convert_element_type3A_37 = arith.truncf %max3A_36 : vector<10000x128xf32> to vector<10000x128xbf16>
      %swap3A_38 = arith.constant 0 : index
      %swap3A_39 = arith.constant 0 : index
      %swap3A_40 = vector.load %arg8[%swap3A_38, %swap3A_39] : memref<10000x128xbf16, #tpu.memory_space<vmem>>, vector<10000x128xbf16>
      tpu.vector_store %arg8[%swap3A_38, %swap3A_39], %convert_element_type3A_37 {strides = array<i32>} : memref<10000x128xbf16, #tpu.memory_space<vmem>>, vector<10000x128xbf16>,
    } else {
    }
    %get3A = arith.constant 0 : index
    %get3A_2 = arith.constant 0 : index
    %get3A_3 = vector.load %arg8[%get3A, %get3A_2] : memref<10000x128xbf16, #tpu.memory_space<vmem>>, vector<10000x128xbf16>
    %get3A_4 = arith.constant 0 : index
    %get3A_5 = arith.constant 0 : index
    %get3A_6 = arith.constant 0 : index
    %get3A_7 = vector.load %arg3[%get3A_4, %get3A_5, %get3A_6] : memref<1x128x128xf32, #tpu.memory_space<vmem>>, vector<1x128x128xf32>
    %get3A_8 = vector.shape_cast %get3A_7 : vector<1x128x128xf32> to vector<128x128xf32>
    %convert_element_type3A_9 = arith.truncf %get3A_8 : vector<128x128xf32> to vector<128x128xbf16>
    %dot_general3A = arith.constant dense<0.000000e+00> : vector<10000x128xf32>
    %dot_general3A_10 = tpu.matmul %get3A_3, %convert_element_type3A_9, %dot_general3A {dimension_numbers = #tpu.dot_dimension_numbers<[1], [0], [0], [1], [0, 0, 1, 1], [], []>, transpose_lhs_hint = false} : vector<10000x128xbf16>, vector<128x128xbf16>, vector<10000x128xf32> -> vector<10000x128xf32>
    %swap3A = arith.constant 0 : index
    %swap3A_11 = arith.constant 0 : index
    %swap3A_12 = arith.constant 0 : index
    %swap3A_13 = vector.load %arg6[%swap3A, %swap3A_11, %swap3A_12] : memref<1x10000x128xf32, #tpu.memory_space<vmem>>, vector<1x10000x128xf32>
    %swap3A_14 = vector.shape_cast %swap3A_13 : vector<1x10000x128xf32> to vector<10000x128xf32>
    %swap3A_15 = vector.shape_cast %dot_general3A_10 : vector<10000x128xf32> to vector<1x10000x128xf32>
    tpu.vector_store %arg6[%swap3A, %swap3A_11, %swap3A_12], %swap3A_15 {strides = array<i32>} : memref<1x10000x128xf32, #tpu.memory_space<vmem>>, vector<1x10000x128xf32>,
    %eq3A_16 = arith.constant 0 : i32
    %eq3A_17 = arith.cmpi eq, %arg0, %eq3A_16 : i32
    %convert_element_type3A_18 = arith.extui %eq3A_17 : i1 to i32
    %cond3A_19 = arith.constant 0 : i32
    %cond3A_20 = arith.cmpi ne, %convert_element_type3A_18, %cond3A_19 : i32
    scf.if %cond3A_20 {
      %get3A_21 = arith.constant 0 : index
      %get3A_22 = arith.constant 0 : index
      %get3A_23 = vector.load %arg4[%get3A_21, %get3A_22] : memref<128x128xf32, #tpu.memory_space<vmem>>, vector<128x128xf32>
      %convert_element_type3A_24 = arith.truncf %get3A_23 : vector<128x128xf32> to vector<128x128xbf16>
      %dot_general3A_25 = arith.constant dense<0.000000e+00> : vector<10000x128xf32>
      %dot_general3A_26 = tpu.matmul %get3A_3, %convert_element_type3A_24, %dot_general3A_25 {dimension_numbers = #tpu.dot_dimension_numbers<[1], [0], [0], [1], [0, 0, 1, 1], [], []>, transpose_lhs_hint = false} : vector<10000x128xbf16>, vector<128x128xbf16>, vector<10000x128xf32> -> vector<10000x128xf32>
      %get3A_27 = arith.constant 0 : index
      %get3A_28 = arith.constant 0 : index
      %get3A_29 = vector.load %arg5[%get3A_27, %get3A_28] : memref<1x128xf32, #tpu.memory_space<vmem>>, vector<1x128xf32>
      %add3A = vector.broadcast %get3A_29 : vector<1x128xf32> to vector<10000x128xf32>
      %add3A_30 = arith.addf %dot_general3A_26, %add3A : vector<10000x128xf32>
      %swap3A_31 = arith.constant 0 : index
      %swap3A_32 = arith.constant 0 : index
      %swap3A_33 = vector.load %arg7[%swap3A_31, %swap3A_32] : memref<10000x128xf32, #tpu.memory_space<vmem>>, vector<10000x128xf32>
      tpu.vector_store %arg7[%swap3A_31, %swap3A_32], %add3A_30 {strides = array<i32>} : memref<10000x128xf32, #tpu.memory_space<vmem>>, vector<10000x128xf32>,
    } else {
    }
    return
  }
  func.func @transform_0(%arg0: i32) -> (i32, i32, i32) {
    %c0_i32 = arith.constant 0 : i32
    %c0_i32_0 = arith.constant 0 : i32
    %c0_i32_1 = arith.constant 0 : i32
    %c0_i32_2 = arith.constant 0 : i32
    return %c0_i32, %c0_i32_0, %c0_i32_1 : i32, i32, i32
  }
  func.func @transform_1(%arg0: i32) -> (i32, i32) {
    %c0_i32 = arith.constant 0 : i32
    %c0_i32_0 = arith.constant 0 : i32
    %c0_i32_1 = arith.constant 0 : i32
    return %c0_i32, %c0_i32_0 : i32, i32
  }
  func.func @transform_2(%arg0: i32) -> (i32, i32, i32) {
    %c0_i32 = arith.constant 0 : i32
    %c0_i32_0 = arith.constant 0 : i32
    %c0_i32_1 = arith.constant 0 : i32
    return %arg0, %c0_i32, %c0_i32_0 : i32, i32, i32
  }
  func.func @transform_3(%arg0: i32) -> (i32, i32) {
    %c0_i32 = arith.constant 0 : i32
    %c0_i32_0 = arith.constant 0 : i32
    %c0_i32_1 = arith.constant 0 : i32
    return %c0_i32, %c0_i32_0 : i32, i32
  }
  func.func @transform_4(%arg0: i32) -> (i32, i32) {
    %c0_i32 = arith.constant 0 : i32
    %c0_i32_0 = arith.constant 0 : i32
    %c0_i32_1 = arith.constant 0 : i32
    return %c0_i32, %c0_i32_0 : i32, i32
  }
  func.func @transform_5(%arg0: i32) -> (i32, i32, i32) {
    %c0_i32 = arith.constant 0 : i32
    %c0_i32_0 = arith.constant 0 : i32
    %c0_i32_1 = arith.constant 0 : i32
    return %arg0, %c0_i32, %c0_i32_0 : i32, i32, i32
  }
  func.func @transform_6(%arg0: i32) -> (i32, i32) {
    %c0_i32 = arith.constant 0 : i32
    %c0_i32_0 = arith.constant 0 : i32
    %c0_i32_1 = arith.constant 0 : i32
    return %c0_i32, %c0_i32_0 : i32, i32
  }
}

module attributes {stable_mosaic.version = 14 : i64} {
  func.func @body(%arg0: i32, %arg1: memref<2x10000x128xf32, #tpu.memory_space<vmem>>, %arg2: memref<10000x128xf32, #tpu.memory_space<vmem>>, %arg3: memref<10000x128xf32, #tpu.memory_space<vmem>>) attributes {dimension_semantics = [#tpu.dimension_semantics<arbitrary>], iteration_bounds = array<i64: 1>, scalar_prefetch = 0 : i64, scratch_operands = 0 : i64, tpu.core_type = #tpu.core_type<tc>, window_params = [{transform_indices = @transform_0, window_bounds = array<i64: 2, 10000, 128>}, {pipeline_mode = #tpu.pipeline_mode<synchronous>, transform_indices = @transform_1, window_bounds = array<i64: 10000, 128>}, {pipeline_mode = #tpu.pipeline_mode<synchronous>, transform_indices = @transform_2, window_bounds = array<i64: 10000, 128>}]} {
    %get3A = arith.constant 0 : index
    %get3A_0 = arith.constant 0 : index
    %get3A_1 = arith.constant 0 : index
    %get3A_2 = vector.load %arg1[%get3A, %get3A_0, %get3A_1] : memref<2x10000x128xf32, #tpu.memory_space<vmem>>, vector<1x10000x128xf32>
    %get3A_3 = vector.shape_cast %get3A_2 : vector<1x10000x128xf32> to vector<10000x128xf32>
    %get3A_4 = arith.constant 1 : index
    %get3A_5 = arith.constant 0 : index
    %get3A_6 = arith.constant 0 : index
    %get3A_7 = vector.load %arg1[%get3A_4, %get3A_5, %get3A_6] : memref<2x10000x128xf32, #tpu.memory_space<vmem>>, vector<1x10000x128xf32>
    %get3A_8 = vector.shape_cast %get3A_7 : vector<1x10000x128xf32> to vector<10000x128xf32>
    %add3A = arith.addf %get3A_3, %get3A_8 : vector<10000x128xf32>
    %get3A_9 = arith.constant 0 : index
    %get3A_10 = arith.constant 0 : index
    %get3A_11 = vector.load %arg2[%get3A_9, %get3A_10] : memref<10000x128xf32, #tpu.memory_space<vmem>>, vector<10000x128xf32>
    %add3A_12 = arith.addf %add3A, %get3A_11 : vector<10000x128xf32>
    %swap3A = arith.constant 0 : index
    %swap3A_13 = arith.constant 0 : index
    %swap3A_14 = vector.load %arg3[%swap3A, %swap3A_13] : memref<10000x128xf32, #tpu.memory_space<vmem>>, vector<10000x128xf32>
    tpu.vector_store %arg3[%swap3A, %swap3A_13], %add3A_12 {strides = array<i32>} : memref<10000x128xf32, #tpu.memory_space<vmem>>, vector<10000x128xf32>,
    return
  }
  func.func @transform_0(%arg0: i32) -> (i32, i32, i32) {
    %c0_i32 = arith.constant 0 : i32
    %c0_i32_0 = arith.constant 0 : i32
    %c0_i32_1 = arith.constant 0 : i32
    %c0_i32_2 = arith.constant 0 : i32
    return %c0_i32, %c0_i32_0, %c0_i32_1 : i32, i32, i32
  }
  func.func @transform_1(%arg0: i32) -> (i32, i32) {
    %c0_i32 = arith.constant 0 : i32
    %c0_i32_0 = arith.constant 0 : i32
    %c0_i32_1 = arith.constant 0 : i32
    return %c0_i32, %c0_i32_0 : i32, i32
  }
  func.func @transform_2(%arg0: i32) -> (i32, i32) {
    %c0_i32 = arith.constant 0 : i32
    %c0_i32_0 = arith.constant 0 : i32
    %c0_i32_1 = arith.constant 0 : i32
    return %c0_i32, %c0_i32_0 : i32, i32
  }
}

</mosaic_0001>

<sc_bundles>
// kernel: kernel.10.cloned.1.call-start
scs
__scs_entry_jumppad:
0x0: {  	(pc) =	sbr.rel $0x88, $3  }
0x1: {  	(tag) =	ssettag $0x0;
	lr =	simm.s32 $0x1  }
0x2: {  	[smem:$0x3F98] =	sst lr;
	_ =	strace $0xD0000000  }
0x3: {  	_ = 	snop  }
0x4: {  	_ = 	snop  }
0x5: {  	_ = 	snop  }
0x6: {  	_ = 	snop  }
0x7: {  	_ = 	snop  }
__scs_overlays_trampoline_lowered:
0x8: {  	[smem:$0x3FA7] =	sst s0  }
0x9: {  	[smem:$0x3FA8] =	sst s1  }
0xa: {  	[smem:$0x3FA9] =	sst s2  }
0xb: {  	[smem:$0x3FAA] =	sst s3  }
0xc: {  	[smem:$0x3FAB] =	sst s4  }
0xd: {  	[smem:$0x3FAC] =	sst s5  }
0xe: {  	[smem:$0x3FAD] =	sst s6  }
0xf: {  	[smem:$0x3FAE] =	sst s7  }
0x10: {  	[smem:$0x3FAF] =	sst s8  }
0x11: {  	[smem:$0x3FB0] =	sst s9;
	s0 =	simm.s32 @!p0 $0x0  }
0x12: {  	s1 =	sld [smem:$0x3F96];
	s0 =	simm.s32 @p0 $0x1  }
0x13: {  	[smem:$0x3FB1] =	sst s0;
	s0 =	simm.s32 @!p1 $0x0  }
0x14: {  	s2 =	sld [smem:$0x3F95];
	s0 =	simm.s32 @p1 $0x1  }
0x15: {  	[smem:$0x3FB2] =	sst s0;
	s0 =	simm.s32 @!p2 $0x0  }
0x16: {  	s3 =	sld [smem:$0x3FDB];
	s0 =	simm.s32 @p2 $0x1  }
0x17: {  	s4 =	simm.s32 $0x1BF5;
	[smem:$0x3FB4] =	sst s0  }
0x18: {  	s0 =	sld [smem:$0x3F97];
	_ =	swait.ge [sflag:s4], $0x0  }
0x19: {  	s7 =	sld [smem:$0x3F98]  }
0x1a: {  	s8 =	sadd.s32 $0xFFFFE003, lr  }
0x1b: {  	s9 =	sadd.s32 $0xFFFFFEF7, lr;
	s5 =	simm.s32 $0xFFFFFFFF;
	p2 =	slt.u32 s8, $0xFFFFF086  }
0x1c: {  	p1 =	slt.u32 s9, $0xF7A;
	s5 =	simm.s32 @!p2 $0x0  }
0x1d: {  	s5 =	simm.s32 @p1 $0x1;
	p0 =	seq.s32 s7, s2  }
0x1e: {  	s7 =	smul.u32 @!p0 $0xF7A, s2;
	p2 =	seq.s32 @!p0 s5, $0x0  }
0x1f: {  	s9 =	smul.u32 $0xF7A, s1;
	s8 =	simm.s32 @!p0 $0x1BF5;
	p2 =	por !p2, p0  }
0x20: {  	[sflag:s8] =	ssyncset.s32 @!p0 $0xFFFFF086;
	s6 =	sadd.s32 @!p0 s3, s7;
	s7 =	simm.s32 @!p0 $0x108  }
0x21: {  	s3 =	sadd.s32 s3, s9;
	s6 =	sadd.s32 @!p0 $0x88, s6;
	s7 =	simm.s32 @p2 $0x1082  }
0x22: {  	[simem:s7], [sflag:s8] =	dma.local @!p0 [hbm:s6], $0xF7A  }
0x23: {  	s9 =	sor.u32 $0xD0000000, s2;
	s6 =	simm.s32 $0x108;
	_ =	swait.ge @!p0 [sflag:s8], $0x0  }
0x24: {  	s3 =	sadd.s32 $0x88, s3;
	s6 =	simm.s32 @!p1 $0x1082;
	[sflag:s4] =	ssyncset.s32 $0xFFFFF086  }
0x25: {  	[simem:s6], [sflag:s4] =	dma.local [hbm:s3], $0xF7A  }
0x26: {  	[smem:$0x3F98] =	sst s1;
	(tag) =	ssettag s2;
	_ =	strace s9  }
0x27: {  	s1 =	sld [smem:$0x3FA8]  }
0x28: {  	s2 =	sld [smem:$0x3FA9]  }
0x29: {  	s4 =	sld [smem:$0x3FAB]  }
0x2a: {  	p0 =	seq.s32 s5, $0x0;
	s5 =	sld [smem:$0x3FAC]  }
0x2b: {  	s6 =	sld [smem:$0x3FAD]  }
0x2c: {  	s7 =	sld [smem:$0x3FAE]  }
0x2d: {  	s3 =	simm.s32 $0x108;
	s8 =	sld [smem:$0x3FAF]  }
0x2e: {  	s3 =	simm.s32 @!p0 $0x1082;
	s9 =	sld [smem:$0x3FB0]  }
0x2f: {  	lr =	sadd.s32 s0, s3;
	s0 =	sld [smem:$0x3FA7]  }
0x30: {  	s3 =	sld [smem:$0x3FAA]  }
0x31: {  	[smem:$0x3FB3] =	sst s10  }
0x32: {  	s10 =	sld [smem:$0x3FB1];
	_ =	sdelay $0x3  }
0x33: {  	p0 =	seq.s32 s10, $0x1;
	s10 =	sld [smem:$0x3FB3];
	_ =	sdelay $0x3  }
0x34: {  	[smem:$0x3FB3] =	sst s10  }
0x35: {  	s10 =	sld [smem:$0x3FB2];
	_ =	sdelay $0x3  }
0x36: {  	p1 =	seq.s32 s10, $0x1;
	s10 =	sld [smem:$0x3FB3];
	_ =	sdelay $0x3  }
0x37: {  	[smem:$0x3FB3] =	sst s10  }
0x38: {  	s10 =	sld [smem:$0x3FB4]  }
0x39: {  	_ = 	snop;
	(pc) =	sbr.ind lr, $3  }
0x3a: {  	_ = 	snop  }
0x3b: {  	_ = 	snop  }
0x3c: {  	p2 =	seq.s32 s10, $0x1;
	s10 =	sld [smem:$0x3FB3]  }
0x3d: {  	_ =	shalt  }
0x3e: {  	_ =	shalt  }
0x3f: {  	_ =	shalt  }
0x40: {  	_ =	shalt  }
0x41: {  	_ =	shalt  }
0x42: {  	_ =	shalt  }
0x43: {  	_ =	shalt  }
0x44: {  	_ =	shalt  }
0x45: {  	_ =	shalt  }
0x46: {  	_ =	shalt  }
0x47: {  	_ =	shalt  }
0x48: {  	_ =	shalt  }
0x49: {  	_ =	shalt  }
0x4a: {  	_ =	shalt  }
0x4b: {  	_ =	shalt  }
0x4c: {  	_ =	shalt  }
0x4d: {  	_ =	shalt  }
0x4e: {  	_ =	shalt  }
0x4f: {  	_ =	shalt  }
0x50: {  	_ =	shalt  }
0x51: {  	_ =	shalt  }
0x52: {  	_ =	shalt  }
0x53: {  	_ =	shalt  }
0x54: {  	_ =	shalt  }
0x55: {  	_ =	shalt  }
0x56: {  	_ =	shalt  }
0x57: {  	_ =	shalt  }
0x58: {  	_ =	shalt  }
0x59: {  	_ =	shalt  }
0x5a: {  	_ =	shalt  }
0x5b: {  	_ =	shalt  }
0x5c: {  	_ =	shalt  }
0x5d: {  	_ =	shalt  }
0x5e: {  	_ =	shalt  }
0x5f: {  	_ =	shalt  }
0x60: {  	_ =	shalt  }
0x61: {  	_ =	shalt  }
0x62: {  	_ =	shalt  }
0x63: {  	_ =	shalt  }
0x64: {  	_ =	shalt  }
0x65: {  	_ =	shalt  }
0x66: {  	_ =	shalt  }
0x67: {  	_ =	shalt  }
0x68: {  	_ =	shalt  }
0x69: {  	_ =	shalt  }
0x6a: {  	_ =	shalt  }
0x6b: {  	_ =	shalt  }
0x6c: {  	_ =	shalt  }
0x6d: {  	_ =	shalt  }
0x6e: {  	_ =	shalt  }
0x6f: {  	_ =	shalt  }
0x70: {  	_ =	shalt  }
0x71: {  	_ =	shalt  }
0x72: {  	_ =	shalt  }
0x73: {  	_ =	shalt  }
0x74: {  	_ =	shalt  }
0x75: {  	_ =	shalt  }
0x76: {  	_ =	shalt  }
0x77: {  	_ =	shalt  }
0x78: {  	_ =	shalt  }
0x79: {  	_ =	shalt  }
0x7a: {  	_ =	shalt  }
0x7b: {  	_ =	shalt  }
0x7c: {  	_ =	shalt  }
0x7d: {  	_ =	shalt  }
0x7e: {  	_ =	shalt  }
0x7f: {  	_ =	shalt  }
0x80: {  	_ =	shalt  }
0x81: {  	_ =	shalt  }
0x82: {  	_ =	shalt  }
0x83: {  	_ =	shalt  }
0x84: {  	_ =	shalt  }
0x85: {  	_ =	shalt  }
0x86: {  	_ =	shalt  }
0x87: {  	_ =	shalt  }
.Lfunc_end0:
.L_simem_size_0:
called_computation.1_lowered:
.L_overlay_start_0:
0x88: {  	s2 =	sld [smem:$0x3FD9]  }
0x89: {  	s3 =	sld [smem:$0x3FFE];
	_ =	sdelay $0x1  }
0x8a: {  	s1 =	srdreg.scid  }
0x8b: {  	s0 =	sand.u32 $0x1, s1  }
0x8c: {  	s17 =	sshll.u32 s0, $0xA;
	s2 =	sadd.s32 s3, s2  }
0x8d: {  	s2 =	sadd.s32 s2, s17  }
0x8e: {  	[smem:$0x3FBF] =	sst s2  }
0x8f: {  	_ = 	snop  }
0x90: {  	s2 =	sld [smem:$0x3FD0];
	(tm) =	ssettm $0x1  }
0x91: {  	s18 =	sld [smem:$0x3FFB];
	_ =	sdelay $0x3  }
0x92: {  	_ =	strace s18  }
0x93: {  	s3 =	sld [smem:$0x3FFC];
	_ =	sdelay $0x3  }
0x94: {  	_ =	strace s3  }
0x95: {  	s3 =	sld [smem:$0x3FFD];
	_ =	sdelay $0x3  }
0x96: {  	_ =	strace s3  }
0x97: {  	_ =	strace $0x8FFFFFFF  }
0x98: {  	s19 =	sld [smem:$0x3FDB];
	_ =	sdelay $0x1  }
0x99: {  	s4 =	simm.s32 $_scs_section_size  }
0x9a: {  	s5 =	simm.s32 $_size__tile_overlayer_lowered;
	s6 =	simm.s32 $_tile_overlayer_lowered  }
0x9b: {  	s22 =	simm.s32 $0x1BFF;
	s21 =	sshll.u32 s6, $0x1;
	s3 =	sadd.s32 s4, s19  }
0x9c: {  	s7 =	simm.s32 $0x0;
	s20 =	sshll.u32 s5, $0x1;
	s5 =	sadd.s32 s21, s3  }
0x9d: {  	[timem:s7], [sflag:s22] =	dma.local [hbm:s5], s20  }
0x9e: {  	_ =	swait.ge [sflag:s22], s20  }
0x9f: {  	s4 =	ssub.s32 $0x0, s20;
	[sflag:s22] =	ssyncset.done $0x0  }
0xa0: {  	[sflag:s22] =	ssyncadd.s32 s4;
	_ =	sdelay $0x1  }
0xa1: {  	s23 =	simm.s32 $0x1B8B  }
0xa2: {  	_ =	swait.ge [sflag:s23], $0x1  }
0xa3: {  	[sflag:s23] =	ssyncset.done $0x0  }
0xa4: {  	s25 =	simm.s32 $0x1B8E;
	s24 =	sld [smem:$0x3FFE];
	[sflag:s23] =	ssyncadd.s32 $0xFFFFFFFF  }
0xa5: {  	s26 =	simm.s32 $execute0_lowered;
	[smem:$0x3FD2] =	sst s25  }
0xa6: {  	s5 =	sshll.u32 s26, $0x1;
	_ =	strace $0x80000049;
	[dreg:$0x1] =	wrdreg $0xFFFFFFFF  }
0xa7: {  	s28 =	simm.s32 $_size_execute0_lowered;
	s3 =	sadd.s32 s3, s5;
	[dreg:$0x0] =	wrdreg $0x0  }
0xa8: {  	s5 =	sshll.u32 s28, $0x1;
	[dreg:$0x2] =	wrdreg s3  }
0xa9: {  	[dreg:$0x3] =	wrdreg s5  }
0xaa: {  	[dreg:$0x4] =	wrdreg $0xC0  }
0xab: {  	_ =	task [dreg:s7], $0x5FFFF  }
0xac: {  	[dreg:$0x1] =	wrdreg $0xFFFFFFFF  }
0xad: {  	[dreg:$0x0] =	wrdreg $0x60  }
0xae: {  	[dreg:$0x2] =	wrdreg s24  }
0xaf: {  	[dreg:$0x3] =	wrdreg s2  }
0xb0: {  	[dreg:$0x4] =	wrdreg $0xB0000  }
0xb1: {  	[dreg:$0x5] =	wrdreg $0x9  }
0xb2: {  	_ =	task.clear_ibuf [dreg:s7], $0x6FFFF;
	_ =	strace $0x90000049  }
0xb3: {  	s29 =	simm.s32 $0x9;
	_ =	strace $0x8000004B  }
0xb4: {  	_ =	swait.ge [sflag:s29], $0x1  }
0xb5: {  	[sflag:s29] =	ssyncadd.s32 $0xFFFFFFFF  }
0xb6: {  	_ =	strace $0x9000004B  }
0xb7: {  	_ =	sfence  }
0xb8: {  	s30 =	sld [smem:$0x0];
	_ =	sdelay $0x2  }
0xb9: {  	s31 =	sshll.u32 s1, $0xD;
	s1 =	sshrl.u32 s1, $0x2  }
0xba: {  	s3 =	sand.u32 $0x4000, s31;
	s1 =	sadd.s32 s1, s30  }
0xbb: {  	s0 =	sor.u32 s3, s0;
	s1 =	sshll.u32 s1, $0x11  }
0xbc: {  	s0 =	sor.u32 s1, s0  }
0xbd: {  	s0 =	sadd.s32 $0x8F2B, s0  }
0xbe: {  	[sflag:s0] =	ssyncadd.remote.s32 $0x1  }
0xbf: {  	_ =	sfence.sel $0xFFFF  }
0xc0: {  	[dreg:$0x0] =	wrdreg $0xFFFFFFFF;
	(pc) =	sbr.abs _section_cstart, $3  }
0xc1: {  	[dreg:$0x1] =	wrdreg $0xFFFFFFFF  }
0xc2: {  	_ =	task.clear_ibuf [dreg:s7], $0x2FFFF;
	_ =	strace $0x9FFFFFFF  }
0xc3: {  	(tm) =	ssettm $0x7FFFFFFF  }
tec
execute0_lowered:
.L_overlay_start_1:
0x0: {  	(tag) =	ssettag $0x1  }
0x1: {  	s0 =	rddreg [dreg:$0x0]  }
0x2: {  	s1 =	rddreg [dreg:$0x1]  }
0x3: {  	s2 =	rddreg [dreg:$0x2]  }
0x4: {  	s3 =	srdreg.scid;
	s5 =	simm.s32 $0x0;
	s9 =	stileid.u32  }
0x5: {  	s12 =	simm.s32 $0xA800;
	s13 =	simm.s32 $0x5;
	s14 =	simm.s32 $0x1400  }
0x6: {  	s15 =	simm.s32 $0x40;
	s16 =	simm.s32 $0x2800;
	s17 =	simm.s32 $0x80  }
0x7: {  	s18 =	simm.s32 $0x4800;
	s19 =	simm.s32 $0x100;
	s20 =	simm.s32 $0x6800  }
0x8: {  	s21 =	simm.s32 $0x180;
	s28 =	simm.s32 $0x2600;
	s29 =	simm.s32 $0x2680  }
0x9: {  	s30 =	simm.s32 $0x2700;
	s31 =	simm.s32 $0x2780;
	s3 =	sand.u32 $0x1, s3  }
0xa: {  	[smem:$0x7FF] =	sst s5;
	s7 =	smul.u32 $0x14000, s9;
	s5 =	sadd.s32 $0x15E00, s0  }
0xb: {  	s6 =	sadd.s32 $0x1E00, s0;
	s8 =	sadd.s32 $0x14E600, s0;
	s23 =	smul.u32 $0x50000, s9  }
0xc: {  	s4 =	smul.u32 $0x140000, s3;
	_ =	strace $0x8000004A;
	s22 =	ssub.s32 $0x2, s3  }
0xd: {  	[dreg:$0x4] =	wrdreg s8;
	s3 =	sshll.u32 s3, $0x4;
	s24 =	sshrl.u32 s22, $0x1  }
0xe: {  	s3 =	sor.u32 s9, s3;
	s25 =	sshrl.u32 s23, $0x2;
	s4 =	sadd.s32 s7, s4  }
0xf: {  	s23 =	simm.s32 $0x1;
	s8 =	sadd.s32 s25, s2;
	s4 =	sshrl.u32 s4, $0x3  }
0x10: {  	s9 =	smul.u32 $0x5000, s3;
	s25 =	simm.s32 $0x3;
	s0 =	sadd.s32 s4, s0  }
0x11: {  	s4 =	ssub.s32 s22, s24;
	s22 =	simm.s32 $0x8800;
	s0 =	sadd.s32 $0x14E800, s0  }
0x12: {  	s24 =	simm.s32 $0x2;
	s26 =	smax.u32 s4, $0x1;
	[dreg:$0x5] =	wrdreg s0  }
0x13: {  	[dreg:$0x6] =	wrdreg s26;
	s26 =	simm.s32 $0x4;
	s0 =	simm.s32 $0x0  }
.LBB2_1:
0x14: {  	s3 =	simm.s32 $0x0;
	s4 =	rddreg [dreg:$0x4]  }
0x15: {  	[tilespmem:s12], [sflag:$0x5] =	stream.linear.gather [hbm4b:s4+s3], $0x800, $0x38;
	[tilespmem:$0x1F000] =	vst v63  }
0x16: {  	_ =	swait.ge [sflag:s13], $0x800  }
0x17: {  	[sflag:s13] =	ssyncset.done $0x0  }
0x18: {  	s11 =	sadd.s32 $0x0, s8;
	[sflag:s13] =	ssyncadd.s32 $0xFFFFF800  }
0x19: {  	[spmem:s11] =	stream.linear.scatter [tilespmem:s12], [sflag:$0x5], $0x800, $0x38;
	[tilespmem:$0x1F000] =	vst v63  }
0x1a: {  	s3 =	simm.s32 $0x2000;
	_ =	swait.ge [sflag:s13], $0x800  }
.LBB2_2:
0x1b: {  	s4 =	sshra.s32 s3, $0x2;
	[sflag:s13] =	ssyncset.done $0x0;
	p0 =	sne.s32 s3, $0x4E000  }
.Ltmp0:
0x1c: {  	s4 =	sadd.s32 s4, s8;
	[sflag:s13] =	ssyncadd.s32 $0xFFFFF800;
	(pc) =	sbr.rel @p0 .LBB2_2-.Ltmp0, $3  }
0x1d: {  	[spmem:s4] =	stream.linear.scatter [tilespmem:s12], [sflag:$0x5], $0x800, $0x38;
	[tilespmem:$0x1F000] =	vst v63  }
0x1e: {  	s3 =	sadd.s32 $0x2000, s3;
	_ =	sdelay $0x1  }
0x1f: {  	_ =	swait.ge [sflag:s13], $0x800  }
0x20: {  	[sflag:s13] =	ssyncset.done $0x0  }
0x21: {  	[sflag:s13] =	ssyncadd.s32 $0xFFFFF800  }
0x22: {  	s4 =	simm.s32 $0x0;
	s3 =	simm.s32 $0x0;
	[bflag:$0x0] =	sbarrier.arrive $0xFFFF  }
.LBB2_4:
0x23: {  	s7 =	smul.u32 $0x1400, s3;
	_ =	sdelay $0x1  }
0x24: {  	s7 =	sadd.s32 s9, s7  }
0x25: {  	s7 =	sshrl.u32 s7, $0x3  }
0x26: {  	s10 =	sadd.s32 s1, s7  }
0x27: {  	[tilespmem:s4], [sflag:$0x5] =	stream.linear.gather [hbm4b:s10+s4], $0x1400, $0x38;
	[tilespmem:$0x1F000] =	vst v63  }
0x28: {  	_ =	swait.ge [sflag:s13], $0x1400  }
0x29: {  	[sflag:s13] =	ssyncset.done $0x0  }
0x2a: {  	s7 =	sadd.s32 s6, s7;
	[sflag:s13] =	ssyncadd.s32 $0xFFFFEC00  }
0x2b: {  	[tilespmem:s14], [sflag:$0x5] =	stream.linear.gather [hbm4b:s7+s4], $0x1400, $0x38;
	[tilespmem:$0x1F000] =	vst v63  }
0x2c: {  	_ =	swait.ge [sflag:s13], $0x1400  }
0x2d: {  	[sflag:s13] =	ssyncset.done $0x0  }
0x2e: {  	[sflag:s13] =	ssyncadd.s32 $0xFFFFEC00  }
0x2f: {  	[tilespmem:s16], [sflag:$0x1] =	stream.indirect.gather [hbm4b:s5+s15], $0x80, s4, s15, $0xb8;
	[tilespmem:$0x1F000] =	vst v63  }
0x30: {  	_ = 	snop  }
0x31: {  	[tilespmem:s18], [sflag:$0x2] =	stream.indirect.gather [hbm4b:s5+s15], $0x80, s17, s15, $0xb8;
	[tilespmem:$0x1F000] =	vst v63  }
0x32: {  	_ = 	snop  }
0x33: {  	[tilespmem:s20], [sflag:$0x3] =	stream.indirect.gather [hbm4b:s5+s15], $0x80, s19, s15, $0xb8;
	[tilespmem:$0x1F000] =	vst v63  }
0x34: {  	_ = 	snop  }
0x35: {  	[tilespmem:s22], [sflag:$0x4] =	stream.indirect.gather [hbm4b:s5+s15], $0x80, s21, s15, $0xb8;
	[tilespmem:$0x1F000] =	vst v63  }
0x36: {  	_ =	swait.ge [sflag:s23], $0x2000  }
0x37: {  	[sflag:s23] =	ssyncset.done $0x0  }
0x38: {  	s11 =	simm.s32 $0x1400;
	[sflag:s23] =	ssyncadd.s32 $0xFFFFE000  }
0x39: {  	[spmem:s2] =	stream.indirect.scatter.add.f32 [tilespmem:s16], [sflag:$0x5], $0x80, s11, s15, $0xb8;
	[tilespmem:$0x1F000] =	vst v63  }
0x3a: {  	_ =	swait.ge [sflag:s13], $0x2000  }
0x3b: {  	[sflag:s13] =	ssyncset.done $0x0  }
0x3c: {  	s10 =	simm.s32 $0x200;
	[sflag:s13] =	ssyncadd.s32 $0xFFFFE000  }
0x3d: {  	[tilespmem:s16], [sflag:$0x1] =	stream.indirect.gather [hbm4b:s5+s15], $0x80, s10, s15, $0xb8;
	[tilespmem:$0x1F000] =	vst v63  }
0x3e: {  	_ =	swait.ge [sflag:s24], $0x2000  }
0x3f: {  	[sflag:s24] =	ssyncset.done $0x0  }
0x40: {  	s11 =	simm.s32 $0x1480;
	[sflag:s24] =	ssyncadd.s32 $0xFFFFE000  }
0x41: {  	[spmem:s2] =	stream.indirect.scatter.add.f32 [tilespmem:s18], [sflag:$0x5], $0x80, s11, s15, $0xb8;
	[tilespmem:$0x1F000] =	vst v63  }
0x42: {  	_ =	swait.ge [sflag:s13], $0x2000  }
0x43: {  	[sflag:s13] =	ssyncset.done $0x0  }
0x44: {  	s10 =	simm.s32 $0x280;
	[sflag:s13] =	ssyncadd.s32 $0xFFFFE000  }
0x45: {  	[tilespmem:s18], [sflag:$0x2] =	stream.indirect.gather [hbm4b:s5+s15], $0x80, s10, s15, $0xb8;
	[tilespmem:$0x1F000] =	vst v63  }
0x46: {  	_ =	swait.ge [sflag:s25], $0x2000  }
0x47: {  	[sflag:s25] =	ssyncset.done $0x0  }
0x48: {  	s11 =	simm.s32 $0x1500;
	[sflag:s25] =	ssyncadd.s32 $0xFFFFE000  }
0x49: {  	[spmem:s2] =	stream.indirect.scatter.add.f32 [tilespmem:s20], [sflag:$0x5], $0x80, s11, s15, $0xb8;
	[tilespmem:$0x1F000] =	vst v63  }
0x4a: {  	_ =	swait.ge [sflag:s13], $0x2000  }
0x4b: {  	[sflag:s13] =	ssyncset.done $0x0  }
0x4c: {  	s10 =	simm.s32 $0x300;
	[sflag:s13] =	ssyncadd.s32 $0xFFFFE000  }
0x4d: {  	[tilespmem:s20], [sflag:$0x3] =	stream.indirect.gather [hbm4b:s5+s15], $0x80, s10, s15, $0xb8;
	[tilespmem:$0x1F000] =	vst v63  }
0x4e: {  	_ =	swait.ge [sflag:s26], $0x2000  }
0x4f: {  	[sflag:s26] =	ssyncset.done $0x0  }
0x50: {  	s11 =	simm.s32 $0x1580;
	[sflag:s26] =	ssyncadd.s32 $0xFFFFE000  }
0x51: {  	[spmem:s2] =	stream.indirect.scatter.add.f32 [tilespmem:s22], [sflag:$0x5], $0x80, s11, s15, $0xb8;
	[tilespmem:$0x1F000] =	vst v63  }
0x52: {  	_ =	swait.ge [sflag:s13], $0x2000  }
0x53: {  	[sflag:s13] =	ssyncset.done $0x0  }
0x54: {  	s7 =	simm.s32 $0x800;
	s10 =	simm.s32 $0x380;
	[sflag:s13] =	ssyncadd.s32 $0xFFFFE000  }
.LBB2_5:
0x55: {  	[tilespmem:s22], [sflag:$0x4] =	stream.indirect.gather [hbm4b:s5+s15], $0x80, s10, s15, $0xb8;
	[tilespmem:$0x1F000] =	vst v63  }
0x56: {  	s10 =	smov.u32 s7  }
0x57: {  	p0 =	sne.s32 s7, $0x4000;
	s7 =	sadd.s32 $0x800, s7;
	_ =	swait.ge [sflag:s23], $0x2000  }
0x58: {  	s10 =	sshra.s32 s10, $0x2;
	[sflag:s23] =	ssyncset.done $0x0  }
0x59: {  	s11 =	sadd.s32 $0x1400, s10;
	[sflag:s23] =	ssyncadd.s32 $0xFFFFE000  }
0x5a: {  	[spmem:s2] =	stream.indirect.scatter.add.f32 [tilespmem:s16], [sflag:$0x5], $0x80, s11, s15, $0xb8;
	[tilespmem:$0x1F000] =	vst v63  }
0x5b: {  	_ =	swait.ge [sflag:s13], $0x2000  }
0x5c: {  	[sflag:s13] =	ssyncset.done $0x0  }
0x5d: {  	s11 =	sadd.s32 $0x200, s10;
	[sflag:s13] =	ssyncadd.s32 $0xFFFFE000  }
0x5e: {  	[tilespmem:s16], [sflag:$0x1] =	stream.indirect.gather [hbm4b:s5+s15], $0x80, s11, s15, $0xb8;
	[tilespmem:$0x1F000] =	vst v63  }
0x5f: {  	_ =	swait.ge [sflag:s24], $0x2000  }
0x60: {  	[sflag:s24] =	ssyncset.done $0x0  }
0x61: {  	s11 =	sadd.s32 $0x1480, s10;
	[sflag:s24] =	ssyncadd.s32 $0xFFFFE000  }
0x62: {  	[spmem:s2] =	stream.indirect.scatter.add.f32 [tilespmem:s18], [sflag:$0x5], $0x80, s11, s15, $0xb8;
	[tilespmem:$0x1F000] =	vst v63  }
0x63: {  	_ =	swait.ge [sflag:s13], $0x2000  }
0x64: {  	[sflag:s13] =	ssyncset.done $0x0  }
0x65: {  	s11 =	sadd.s32 $0x280, s10;
	[sflag:s13] =	ssyncadd.s32 $0xFFFFE000  }
0x66: {  	[tilespmem:s18], [sflag:$0x2] =	stream.indirect.gather [hbm4b:s5+s15], $0x80, s11, s15, $0xb8;
	[tilespmem:$0x1F000] =	vst v63  }
0x67: {  	_ =	swait.ge [sflag:s25], $0x2000  }
0x68: {  	[sflag:s25] =	ssyncset.done $0x0  }
0x69: {  	s11 =	sadd.s32 $0x1500, s10;
	[sflag:s25] =	ssyncadd.s32 $0xFFFFE000  }
0x6a: {  	[spmem:s2] =	stream.indirect.scatter.add.f32 [tilespmem:s20], [sflag:$0x5], $0x80, s11, s15, $0xb8;
	[tilespmem:$0x1F000] =	vst v63  }
0x6b: {  	_ =	swait.ge [sflag:s13], $0x2000  }
0x6c: {  	[sflag:s13] =	ssyncset.done $0x0  }
0x6d: {  	s11 =	sadd.s32 $0x300, s10;
	[sflag:s13] =	ssyncadd.s32 $0xFFFFE000  }
0x6e: {  	[tilespmem:s20], [sflag:$0x3] =	stream.indirect.gather [hbm4b:s5+s15], $0x80, s11, s15, $0xb8;
	[tilespmem:$0x1F000] =	vst v63  }
0x6f: {  	_ =	swait.ge [sflag:s26], $0x2000  }
0x70: {  	[sflag:s26] =	ssyncset.done $0x0  }
.Ltmp1:
0x71: {  	s11 =	sadd.s32 $0x1580, s10;
	[sflag:s26] =	ssyncadd.s32 $0xFFFFE000;
	(pc) =	sbr.rel @p0 .LBB2_5-.Ltmp1, $4  }
0x72: {  	[spmem:s2] =	stream.indirect.scatter.add.f32 [tilespmem:s22], [sflag:$0x5], $0x80, s11, s15, $0xb8;
	[tilespmem:$0x1F000] =	vst v63  }
0x73: {  	_ =	swait.ge [sflag:s13], $0x2000  }
0x74: {  	[sflag:s13] =	ssyncset.done $0x0  }
0x75: {  	s10 =	sadd.s32 $0x380, s10;
	[sflag:s13] =	ssyncadd.s32 $0xFFFFE000  }
0x76: {  	[tilespmem:s22], [sflag:$0x4] =	stream.indirect.gather [hbm4b:s5+s15], $0x80, s10, s15, $0xb8;
	[tilespmem:$0x1F000] =	vst v63  }
0x77: {  	_ =	swait.ge [sflag:s23], $0x2000  }
0x78: {  	[sflag:s23] =	ssyncset.done $0x0  }
0x79: {  	[sflag:s23] =	ssyncadd.s32 $0xFFFFE000  }
0x7a: {  	[spmem:s2] =	stream.indirect.scatter.add.f32 [tilespmem:s16], [sflag:$0x5], $0x80, s28, s15, $0xb8;
	[tilespmem:$0x1F000] =	vst v63  }
0x7b: {  	_ =	swait.ge [sflag:s13], $0x2000  }
0x7c: {  	[sflag:s13] =	ssyncset.done $0x0  }
0x7d: {  	[sflag:s13] =	ssyncadd.s32 $0xFFFFE000  }
0x7e: {  	_ =	swait.ge [sflag:s24], $0x2000  }
0x7f: {  	[sflag:s24] =	ssyncset.done $0x0  }
0x80: {  	[sflag:s24] =	ssyncadd.s32 $0xFFFFE000  }
0x81: {  	[spmem:s2] =	stream.indirect.scatter.add.f32 [tilespmem:s18], [sflag:$0x5], $0x80, s29, s15, $0xb8;
	[tilespmem:$0x1F000] =	vst v63  }
0x82: {  	_ =	swait.ge [sflag:s13], $0x2000  }
0x83: {  	[sflag:s13] =	ssyncset.done $0x0  }
0x84: {  	[sflag:s13] =	ssyncadd.s32 $0xFFFFE000  }
0x85: {  	_ =	swait.ge [sflag:s25], $0x2000  }
0x86: {  	[sflag:s25] =	ssyncset.done $0x0  }
0x87: {  	[sflag:s25] =	ssyncadd.s32 $0xFFFFE000  }
0x88: {  	[spmem:s2] =	stream.indirect.scatter.add.f32 [tilespmem:s20], [sflag:$0x5], $0x80, s30, s15, $0xb8;
	[tilespmem:$0x1F000] =	vst v63  }
0x89: {  	_ =	swait.ge [sflag:s13], $0x2000  }
0x8a: {  	[sflag:s13] =	ssyncset.done $0x0  }
0x8b: {  	[sflag:s13] =	ssyncadd.s32 $0xFFFFE000  }
0x8c: {  	s3 =	sadd.s32 $0x1, s3;
	_ =	swait.ge [sflag:s26], $0x2000  }
0x8d: {  	p0 =	sne.s32 s3, $0x4;
	[sflag:s26] =	ssyncset.done $0x0  }
.Ltmp2:
0x8e: {  	[sflag:s26] =	ssyncadd.s32 $0xFFFFE000;
	(pc) =	sbr.rel @p0 .LBB2_4-.Ltmp2, $4  }
0x8f: {  	[spmem:s2] =	stream.indirect.scatter.add.f32 [tilespmem:s22], [sflag:$0x5], $0x80, s31, s15, $0xb8;
	[tilespmem:$0x1F000] =	vst v63  }
0x90: {  	_ =	swait.ge [sflag:s13], $0x2000  }
0x91: {  	[sflag:s13] =	ssyncset.done $0x0  }
0x92: {  	[sflag:s13] =	ssyncadd.s32 $0xFFFFE000  }
0x93: {  	s3 =	stileid.u32  }
0x94: {  	[bflag:$0x0] =	sbarrier.arrive $0xFFFF;
	s3 =	sshll.u32 s3, $0x6  }
0x95: {  	s4 =	sshrl.u32 s8, $0x3;
	s7 =	rddreg [dreg:$0x5];
	s3 =	sor.u32 $0x1C05, s3  }
0x96: {  	[hbm:s7], [sflag:s3] =	dma.local [spmem:s4], $0x2800  }
0x97: {  	_ =	swait.ge [sflag:s13], $0x2800  }
0x98: {  	s0 =	sadd.s32 $0x1, s0;
	s11 =	rddreg [dreg:$0x6]  }
0x99: {  	p0 =	sne.s32 s0, s11  }
.Ltmp3:
0x9a: {  	_ = 	snop;
	(pc) =	sbr.rel @p0 .LBB2_1-.Ltmp3, $3  }
0x9b: {  	_ =	sdelay $0x1  }
0x9c: {  	[sflag:s13] =	ssyncset.done $0x0  }
0x9d: {  	[sflag:s13] =	ssyncadd.s32 $0xFFFFD800  }
0x9e: {  	_ =	sfence.sel $0x180000  }
0x9f: {  	[bflag:$0x0] =	sbarrier.arrive $0xFFFF  }
0xa0: {  	_ =	strace $0x9000004A  }
0xa1: {  	s0 =	stileid.u32;
	[bflag:$0x2] =	sbarrier.arrive $0xFFFF  }
0xa2: {  	p0 =	sne.s32 s0, $0x0;
	s0 =	rddreg [dreg:$0x3]  }
0xa3: {  	s0 =	sadd.s32 @!p0 $0x100000, s0  }
0xa4: {  	[sflag:s0] =	ssyncadd.tile.s32 @!p0 $0x1;
	_ =	shalt  }
.Lfunc_end2:
_tile_overlayer_lowered:
.L_overlay_start_2:
0xa5: {  	(tag) =	ssettag $0x2  }
0xa6: {  	s0 =	rddreg [dreg:$0x0];
	s2 =	stileid.u32  }
0xa7: {  	s1 =	rddreg [dreg:$0x1];
	p0 =	sne.s32 s2, $0x0  }
0xa8: {  	s3 =	rddreg [dreg:$0x2];
	[bflag:$0x3] =	sbarrier.arrive $0xFFFF;
	s2 =	simm.s32 @!p0 $0x1C05  }
0xa9: {  	[timem:s3], [sflag:s2] =	dma.local @!p0 [hbm:s0], s1  }
0xaa: {  	s0 =	simm.s32 @!p0 $0x5  }
0xab: {  	_ =	swait.ge @!p0 [sflag:s0], s1  }
0xac: {  	s1 =	ssub.s32 @!p0 $0x0, s1;
	[sflag:s0] =	ssyncset.done @!p0 $0x0  }
0xad: {  	[sflag:s0] =	ssyncadd.s32 @!p0 s1  }
0xae: {  	[bflag:$0x3] =	sbarrier.arrive $0xFFFF  }
0xaf: {  	_ =	shalt  }

// kernel: kernel.7.cloned.1.call-start
scs
__scs_entry_jumppad:
0x0: {  	(pc) =	sbr.rel $0x88, $3  }
0x1: {  	(tag) =	ssettag $0x0;
	lr =	simm.s32 $0x1  }
0x2: {  	[smem:$0x3F98] =	sst lr;
	_ =	strace $0xD0000000  }
0x3: {  	_ = 	snop  }
0x4: {  	_ = 	snop  }
0x5: {  	_ = 	snop  }
0x6: {  	_ = 	snop  }
0x7: {  	_ = 	snop  }
__scs_overlays_trampoline_lowered:
0x8: {  	[smem:$0x3FA7] =	sst s0  }
0x9: {  	[smem:$0x3FA8] =	sst s1  }
0xa: {  	[smem:$0x3FA9] =	sst s2  }
0xb: {  	[smem:$0x3FAA] =	sst s3  }
0xc: {  	[smem:$0x3FAB] =	sst s4  }
0xd: {  	[smem:$0x3FAC] =	sst s5  }
0xe: {  	[smem:$0x3FAD] =	sst s6  }
0xf: {  	[smem:$0x3FAE] =	sst s7  }
0x10: {  	[smem:$0x3FAF] =	sst s8  }
0x11: {  	[smem:$0x3FB0] =	sst s9;
	s0 =	simm.s32 @!p0 $0x0  }
0x12: {  	s1 =	sld [smem:$0x3F96];
	s0 =	simm.s32 @p0 $0x1  }
0x13: {  	[smem:$0x3FB1] =	sst s0;
	s0 =	simm.s32 @!p1 $0x0  }
0x14: {  	s2 =	sld [smem:$0x3F95];
	s0 =	simm.s32 @p1 $0x1  }
0x15: {  	[smem:$0x3FB2] =	sst s0;
	s0 =	simm.s32 @!p2 $0x0  }
0x16: {  	s3 =	sld [smem:$0x3FDB];
	s0 =	simm.s32 @p2 $0x1  }
0x17: {  	s4 =	simm.s32 $0x1BF5;
	[smem:$0x3FB4] =	sst s0  }
0x18: {  	s0 =	sld [smem:$0x3F97];
	_ =	swait.ge [sflag:s4], $0x0  }
0x19: {  	s7 =	sld [smem:$0x3F98]  }
0x1a: {  	s8 =	sadd.s32 $0xFFFFE003, lr  }
0x1b: {  	s9 =	sadd.s32 $0xFFFFFEF7, lr;
	s5 =	simm.s32 $0xFFFFFFFF;
	p2 =	slt.u32 s8, $0xFFFFF086  }
0x1c: {  	p1 =	slt.u32 s9, $0xF7A;
	s5 =	simm.s32 @!p2 $0x0  }
0x1d: {  	s5 =	simm.s32 @p1 $0x1;
	p0 =	seq.s32 s7, s2  }
0x1e: {  	s7 =	smul.u32 @!p0 $0xF7A, s2;
	p2 =	seq.s32 @!p0 s5, $0x0  }
0x1f: {  	s9 =	smul.u32 $0xF7A, s1;
	s8 =	simm.s32 @!p0 $0x1BF5;
	p2 =	por !p2, p0  }
0x20: {  	[sflag:s8] =	ssyncset.s32 @!p0 $0xFFFFF086;
	s6 =	sadd.s32 @!p0 s3, s7;
	s7 =	simm.s32 @!p0 $0x108  }
0x21: {  	s3 =	sadd.s32 s3, s9;
	s6 =	sadd.s32 @!p0 $0x88, s6;
	s7 =	simm.s32 @p2 $0x1082  }
0x22: {  	[simem:s7], [sflag:s8] =	dma.local @!p0 [hbm:s6], $0xF7A  }
0x23: {  	s9 =	sor.u32 $0xD0000000, s2;
	s6 =	simm.s32 $0x108;
	_ =	swait.ge @!p0 [sflag:s8], $0x0  }
0x24: {  	s3 =	sadd.s32 $0x88, s3;
	s6 =	simm.s32 @!p1 $0x1082;
	[sflag:s4] =	ssyncset.s32 $0xFFFFF086  }
0x25: {  	[simem:s6], [sflag:s4] =	dma.local [hbm:s3], $0xF7A  }
0x26: {  	[smem:$0x3F98] =	sst s1;
	(tag) =	ssettag s2;
	_ =	strace s9  }
0x27: {  	s1 =	sld [smem:$0x3FA8]  }
0x28: {  	s2 =	sld [smem:$0x3FA9]  }
0x29: {  	s4 =	sld [smem:$0x3FAB]  }
0x2a: {  	p0 =	seq.s32 s5, $0x0;
	s5 =	sld [smem:$0x3FAC]  }
0x2b: {  	s6 =	sld [smem:$0x3FAD]  }
0x2c: {  	s7 =	sld [smem:$0x3FAE]  }
0x2d: {  	s3 =	simm.s32 $0x108;
	s8 =	sld [smem:$0x3FAF]  }
0x2e: {  	s3 =	simm.s32 @!p0 $0x1082;
	s9 =	sld [smem:$0x3FB0]  }
0x2f: {  	lr =	sadd.s32 s0, s3;
	s0 =	sld [smem:$0x3FA7]  }
0x30: {  	s3 =	sld [smem:$0x3FAA]  }
0x31: {  	[smem:$0x3FB3] =	sst s10  }
0x32: {  	s10 =	sld [smem:$0x3FB1];
	_ =	sdelay $0x3  }
0x33: {  	p0 =	seq.s32 s10, $0x1;
	s10 =	sld [smem:$0x3FB3];
	_ =	sdelay $0x3  }
0x34: {  	[smem:$0x3FB3] =	sst s10  }
0x35: {  	s10 =	sld [smem:$0x3FB2];
	_ =	sdelay $0x3  }
0x36: {  	p1 =	seq.s32 s10, $0x1;
	s10 =	sld [smem:$0x3FB3];
	_ =	sdelay $0x3  }
0x37: {  	[smem:$0x3FB3] =	sst s10  }
0x38: {  	s10 =	sld [smem:$0x3FB4]  }
0x39: {  	_ = 	snop;
	(pc) =	sbr.ind lr, $3  }
0x3a: {  	_ = 	snop  }
0x3b: {  	_ = 	snop  }
0x3c: {  	p2 =	seq.s32 s10, $0x1;
	s10 =	sld [smem:$0x3FB3]  }
0x3d: {  	_ =	shalt  }
0x3e: {  	_ =	shalt  }
0x3f: {  	_ =	shalt  }
0x40: {  	_ =	shalt  }
0x41: {  	_ =	shalt  }
0x42: {  	_ =	shalt  }
0x43: {  	_ =	shalt  }
0x44: {  	_ =	shalt  }
0x45: {  	_ =	shalt  }
0x46: {  	_ =	shalt  }
0x47: {  	_ =	shalt  }
0x48: {  	_ =	shalt  }
0x49: {  	_ =	shalt  }
0x4a: {  	_ =	shalt  }
0x4b: {  	_ =	shalt  }
0x4c: {  	_ =	shalt  }
0x4d: {  	_ =	shalt  }
0x4e: {  	_ =	shalt  }
0x4f: {  	_ =	shalt  }
0x50: {  	_ =	shalt  }
0x51: {  	_ =	shalt  }
0x52: {  	_ =	shalt  }
0x53: {  	_ =	shalt  }
0x54: {  	_ =	shalt  }
0x55: {  	_ =	shalt  }
0x56: {  	_ =	shalt  }
0x57: {  	_ =	shalt  }
0x58: {  	_ =	shalt  }
0x59: {  	_ =	shalt  }
0x5a: {  	_ =	shalt  }
0x5b: {  	_ =	shalt  }
0x5c: {  	_ =	shalt  }
0x5d: {  	_ =	shalt  }
0x5e: {  	_ =	shalt  }
0x5f: {  	_ =	shalt  }
0x60: {  	_ =	shalt  }
0x61: {  	_ =	shalt  }
0x62: {  	_ =	shalt  }
0x63: {  	_ =	shalt  }
0x64: {  	_ =	shalt  }
0x65: {  	_ =	shalt  }
0x66: {  	_ =	shalt  }
0x67: {  	_ =	shalt  }
0x68: {  	_ =	shalt  }
0x69: {  	_ =	shalt  }
0x6a: {  	_ =	shalt  }
0x6b: {  	_ =	shalt  }
0x6c: {  	_ =	shalt  }
0x6d: {  	_ =	shalt  }
0x6e: {  	_ =	shalt  }
0x6f: {  	_ =	shalt  }
0x70: {  	_ =	shalt  }
0x71: {  	_ =	shalt  }
0x72: {  	_ =	shalt  }
0x73: {  	_ =	shalt  }
0x74: {  	_ =	shalt  }
0x75: {  	_ =	shalt  }
0x76: {  	_ =	shalt  }
0x77: {  	_ =	shalt  }
0x78: {  	_ =	shalt  }
0x79: {  	_ =	shalt  }
0x7a: {  	_ =	shalt  }
0x7b: {  	_ =	shalt  }
0x7c: {  	_ =	shalt  }
0x7d: {  	_ =	shalt  }
0x7e: {  	_ =	shalt  }
0x7f: {  	_ =	shalt  }
0x80: {  	_ =	shalt  }
0x81: {  	_ =	shalt  }
0x82: {  	_ =	shalt  }
0x83: {  	_ =	shalt  }
0x84: {  	_ =	shalt  }
0x85: {  	_ =	shalt  }
0x86: {  	_ =	shalt  }
0x87: {  	_ =	shalt  }
.Lfunc_end0:
.L_simem_size_0:
called_computation_lowered:
.L_overlay_start_0:
0x88: {  	s2 =	sld [smem:$0x3FD9]  }
0x89: {  	s3 =	sld [smem:$0x3FFE];
	_ =	sdelay $0x1  }
0x8a: {  	s1 =	srdreg.scid  }
0x8b: {  	s0 =	sand.u32 $0x1, s1  }
0x8c: {  	s17 =	sshll.u32 s0, $0xA;
	s2 =	sadd.s32 s3, s2  }
0x8d: {  	s2 =	sadd.s32 s2, s17  }
0x8e: {  	[smem:$0x3FBF] =	sst s2  }
0x8f: {  	_ = 	snop  }
0x90: {  	s2 =	sld [smem:$0x3FD0];
	(tm) =	ssettm $0x1  }
0x91: {  	s18 =	sld [smem:$0x3FFB];
	_ =	sdelay $0x3  }
0x92: {  	_ =	strace s18  }
0x93: {  	s3 =	sld [smem:$0x3FFC];
	_ =	sdelay $0x3  }
0x94: {  	_ =	strace s3  }
0x95: {  	s3 =	sld [smem:$0x3FFD];
	_ =	sdelay $0x3  }
0x96: {  	_ =	strace s3  }
0x97: {  	_ =	strace $0x8FFFFFFF  }
0x98: {  	s19 =	sld [smem:$0x3FDB];
	_ =	sdelay $0x1  }
0x99: {  	s4 =	simm.s32 $_scs_section_size  }
0x9a: {  	s5 =	simm.s32 $_size__tile_overlayer_lowered;
	s6 =	simm.s32 $_tile_overlayer_lowered  }
0x9b: {  	s22 =	simm.s32 $0x1BFF;
	s21 =	sshll.u32 s6, $0x1;
	s3 =	sadd.s32 s4, s19  }
0x9c: {  	s7 =	simm.s32 $0x0;
	s20 =	sshll.u32 s5, $0x1;
	s5 =	sadd.s32 s21, s3  }
0x9d: {  	[timem:s7], [sflag:s22] =	dma.local [hbm:s5], s20  }
0x9e: {  	_ =	swait.ge [sflag:s22], s20  }
0x9f: {  	s4 =	ssub.s32 $0x0, s20;
	[sflag:s22] =	ssyncset.done $0x0  }
0xa0: {  	[sflag:s22] =	ssyncadd.s32 s4;
	_ =	sdelay $0x1  }
0xa1: {  	s23 =	simm.s32 $0x1B8B  }
0xa2: {  	_ =	swait.ge [sflag:s23], $0x1  }
0xa3: {  	[sflag:s23] =	ssyncset.done $0x0  }
0xa4: {  	s25 =	simm.s32 $0x1B8E;
	s24 =	sld [smem:$0x3FFE];
	[sflag:s23] =	ssyncadd.s32 $0xFFFFFFFF  }
0xa5: {  	s26 =	simm.s32 $execute0_lowered;
	[smem:$0x3FD2] =	sst s25  }
0xa6: {  	s5 =	sshll.u32 s26, $0x1;
	_ =	strace $0x80000046;
	[dreg:$0x1] =	wrdreg $0xFFFFFFFF  }
0xa7: {  	s28 =	simm.s32 $_size_execute0_lowered;
	s3 =	sadd.s32 s3, s5;
	[dreg:$0x0] =	wrdreg $0x0  }
0xa8: {  	s5 =	sshll.u32 s28, $0x1;
	[dreg:$0x2] =	wrdreg s3  }
0xa9: {  	[dreg:$0x3] =	wrdreg s5  }
0xaa: {  	[dreg:$0x4] =	wrdreg $0xC0  }
0xab: {  	_ =	task [dreg:s7], $0x5FFFF  }
0xac: {  	[dreg:$0x1] =	wrdreg $0xFFFFFFFF  }
0xad: {  	[dreg:$0x0] =	wrdreg $0x60  }
0xae: {  	[dreg:$0x2] =	wrdreg s24  }
0xaf: {  	[dreg:$0x3] =	wrdreg s2  }
0xb0: {  	[dreg:$0x4] =	wrdreg $0xB0000  }
0xb1: {  	[dreg:$0x5] =	wrdreg $0x9  }
0xb2: {  	_ =	task.clear_ibuf [dreg:s7], $0x6FFFF;
	_ =	strace $0x90000046  }
0xb3: {  	s29 =	simm.s32 $0x9;
	_ =	strace $0x80000048  }
0xb4: {  	_ =	swait.ge [sflag:s29], $0x1  }
0xb5: {  	[sflag:s29] =	ssyncadd.s32 $0xFFFFFFFF  }
0xb6: {  	_ =	strace $0x90000048  }
0xb7: {  	_ =	sfence  }
0xb8: {  	s30 =	sld [smem:$0x0];
	_ =	sdelay $0x2  }
0xb9: {  	s31 =	sshll.u32 s1, $0xD;
	s1 =	sshrl.u32 s1, $0x2  }
0xba: {  	s3 =	sand.u32 $0x4000, s31;
	s1 =	sadd.s32 s1, s30  }
0xbb: {  	s0 =	sor.u32 s3, s0;
	s1 =	sshll.u32 s1, $0x11  }
0xbc: {  	s0 =	sor.u32 s1, s0  }
0xbd: {  	s0 =	sadd.s32 $0x8F2B, s0  }
0xbe: {  	[sflag:s0] =	ssyncadd.remote.s32 $0x1  }
0xbf: {  	_ =	sfence.sel $0xFFFF  }
0xc0: {  	[dreg:$0x0] =	wrdreg $0xFFFFFFFF;
	(pc) =	sbr.abs _section_cstart, $3  }
0xc1: {  	[dreg:$0x1] =	wrdreg $0xFFFFFFFF  }
0xc2: {  	_ =	task.clear_ibuf [dreg:s7], $0x2FFFF;
	_ =	strace $0x9FFFFFFF  }
0xc3: {  	(tm) =	ssettm $0x7FFFFFFF  }
tec
execute0_lowered:
.L_overlay_start_1:
0x0: {  	(tag) =	ssettag $0x1  }
0x1: {  	s0 =	rddreg [dreg:$0x0]  }
0x2: {  	s1 =	rddreg [dreg:$0x1]  }
0x3: {  	s2 =	rddreg [dreg:$0x2]  }
0x4: {  	s3 =	srdreg.scid;
	s5 =	simm.s32 $0x0;
	s9 =	stileid.u32  }
0x5: {  	s12 =	simm.s32 $0xA800;
	s13 =	simm.s32 $0x5;
	s14 =	simm.s32 $0x1400  }
0x6: {  	s15 =	simm.s32 $0x40;
	s16 =	simm.s32 $0x2800;
	s17 =	simm.s32 $0x80  }
0x7: {  	s18 =	simm.s32 $0x4800;
	s19 =	simm.s32 $0x100;
	s20 =	simm.s32 $0x6800  }
0x8: {  	s21 =	simm.s32 $0x180;
	s28 =	simm.s32 $0x2600;
	s29 =	simm.s32 $0x2680  }
0x9: {  	s30 =	simm.s32 $0x2700;
	s31 =	simm.s32 $0x2780;
	s3 =	sand.u32 $0x1, s3  }
0xa: {  	[smem:$0x7FF] =	sst s5;
	s7 =	smul.u32 $0x14000, s9;
	s5 =	sadd.s32 $0x15E00, s0  }
0xb: {  	s6 =	sadd.s32 $0x1E00, s0;
	s8 =	sadd.s32 $0x14E600, s0;
	s23 =	smul.u32 $0x50000, s9  }
0xc: {  	s4 =	smul.u32 $0x140000, s3;
	_ =	strace $0x80000047;
	s22 =	ssub.s32 $0x2, s3  }
0xd: {  	[dreg:$0x4] =	wrdreg s8;
	s3 =	sshll.u32 s3, $0x4;
	s24 =	sshrl.u32 s22, $0x1  }
0xe: {  	s3 =	sor.u32 s9, s3;
	s25 =	sshrl.u32 s23, $0x2;
	s4 =	sadd.s32 s7, s4  }
0xf: {  	s23 =	simm.s32 $0x1;
	s8 =	sadd.s32 s25, s2;
	s4 =	sshrl.u32 s4, $0x3  }
0x10: {  	s9 =	smul.u32 $0x5000, s3;
	s25 =	simm.s32 $0x3;
	s0 =	sadd.s32 s4, s0  }
0x11: {  	s4 =	ssub.s32 s22, s24;
	s22 =	simm.s32 $0x8800;
	s0 =	sadd.s32 $0x14E800, s0  }
0x12: {  	s24 =	simm.s32 $0x2;
	s26 =	smax.u32 s4, $0x1;
	[dreg:$0x5] =	wrdreg s0  }
0x13: {  	[dreg:$0x6] =	wrdreg s26;
	s26 =	simm.s32 $0x4;
	s0 =	simm.s32 $0x0  }
.LBB2_1:
0x14: {  	s3 =	simm.s32 $0x0;
	s4 =	rddreg [dreg:$0x4]  }
0x15: {  	[tilespmem:s12], [sflag:$0x5] =	stream.linear.gather [hbm4b:s4+s3], $0x800, $0x38;
	[tilespmem:$0x1F000] =	vst v63  }
0x16: {  	_ =	swait.ge [sflag:s13], $0x800  }
0x17: {  	[sflag:s13] =	ssyncset.done $0x0  }
0x18: {  	s11 =	sadd.s32 $0x0, s8;
	[sflag:s13] =	ssyncadd.s32 $0xFFFFF800  }
0x19: {  	[spmem:s11] =	stream.linear.scatter [tilespmem:s12], [sflag:$0x5], $0x800, $0x38;
	[tilespmem:$0x1F000] =	vst v63  }
0x1a: {  	s3 =	simm.s32 $0x2000;
	_ =	swait.ge [sflag:s13], $0x800  }
.LBB2_2:
0x1b: {  	s4 =	sshra.s32 s3, $0x2;
	[sflag:s13] =	ssyncset.done $0x0;
	p0 =	sne.s32 s3, $0x4E000  }
.Ltmp0:
0x1c: {  	s4 =	sadd.s32 s4, s8;
	[sflag:s13] =	ssyncadd.s32 $0xFFFFF800;
	(pc) =	sbr.rel @p0 .LBB2_2-.Ltmp0, $3  }
0x1d: {  	[spmem:s4] =	stream.linear.scatter [tilespmem:s12], [sflag:$0x5], $0x800, $0x38;
	[tilespmem:$0x1F000] =	vst v63  }
0x1e: {  	s3 =	sadd.s32 $0x2000, s3;
	_ =	sdelay $0x1  }
0x1f: {  	_ =	swait.ge [sflag:s13], $0x800  }
0x20: {  	[sflag:s13] =	ssyncset.done $0x0  }
0x21: {  	[sflag:s13] =	ssyncadd.s32 $0xFFFFF800  }
0x22: {  	s4 =	simm.s32 $0x0;
	s3 =	simm.s32 $0x0;
	[bflag:$0x0] =	sbarrier.arrive $0xFFFF  }
.LBB2_4:
0x23: {  	s7 =	smul.u32 $0x1400, s3;
	_ =	sdelay $0x1  }
0x24: {  	s7 =	sadd.s32 s9, s7  }
0x25: {  	s7 =	sshrl.u32 s7, $0x3  }
0x26: {  	s10 =	sadd.s32 s1, s7  }
0x27: {  	[tilespmem:s4], [sflag:$0x5] =	stream.linear.gather [hbm4b:s10+s4], $0x1400, $0x38;
	[tilespmem:$0x1F000] =	vst v63  }
0x28: {  	_ =	swait.ge [sflag:s13], $0x1400  }
0x29: {  	[sflag:s13] =	ssyncset.done $0x0  }
0x2a: {  	s7 =	sadd.s32 s6, s7;
	[sflag:s13] =	ssyncadd.s32 $0xFFFFEC00  }
0x2b: {  	[tilespmem:s14], [sflag:$0x5] =	stream.linear.gather [hbm4b:s7+s4], $0x1400, $0x38;
	[tilespmem:$0x1F000] =	vst v63  }
0x2c: {  	_ =	swait.ge [sflag:s13], $0x1400  }
0x2d: {  	[sflag:s13] =	ssyncset.done $0x0  }
0x2e: {  	[sflag:s13] =	ssyncadd.s32 $0xFFFFEC00  }
0x2f: {  	[tilespmem:s16], [sflag:$0x1] =	stream.indirect.gather [hbm4b:s5+s15], $0x80, s4, s15, $0xb8;
	[tilespmem:$0x1F000] =	vst v63  }
0x30: {  	_ = 	snop  }
0x31: {  	[tilespmem:s18], [sflag:$0x2] =	stream.indirect.gather [hbm4b:s5+s15], $0x80, s17, s15, $0xb8;
	[tilespmem:$0x1F000] =	vst v63  }
0x32: {  	_ = 	snop  }
0x33: {  	[tilespmem:s20], [sflag:$0x3] =	stream.indirect.gather [hbm4b:s5+s15], $0x80, s19, s15, $0xb8;
	[tilespmem:$0x1F000] =	vst v63  }
0x34: {  	_ = 	snop  }
0x35: {  	[tilespmem:s22], [sflag:$0x4] =	stream.indirect.gather [hbm4b:s5+s15], $0x80, s21, s15, $0xb8;
	[tilespmem:$0x1F000] =	vst v63  }
0x36: {  	_ =	swait.ge [sflag:s23], $0x2000  }
0x37: {  	[sflag:s23] =	ssyncset.done $0x0  }
0x38: {  	s11 =	simm.s32 $0x1400;
	[sflag:s23] =	ssyncadd.s32 $0xFFFFE000  }
0x39: {  	[spmem:s2] =	stream.indirect.scatter.add.f32 [tilespmem:s16], [sflag:$0x5], $0x80, s11, s15, $0xb8;
	[tilespmem:$0x1F000] =	vst v63  }
0x3a: {  	_ =	swait.ge [sflag:s13], $0x2000  }
0x3b: {  	[sflag:s13] =	ssyncset.done $0x0  }
0x3c: {  	s10 =	simm.s32 $0x200;
	[sflag:s13] =	ssyncadd.s32 $0xFFFFE000  }
0x3d: {  	[tilespmem:s16], [sflag:$0x1] =	stream.indirect.gather [hbm4b:s5+s15], $0x80, s10, s15, $0xb8;
	[tilespmem:$0x1F000] =	vst v63  }
0x3e: {  	_ =	swait.ge [sflag:s24], $0x2000  }
0x3f: {  	[sflag:s24] =	ssyncset.done $0x0  }
0x40: {  	s11 =	simm.s32 $0x1480;
	[sflag:s24] =	ssyncadd.s32 $0xFFFFE000  }
0x41: {  	[spmem:s2] =	stream.indirect.scatter.add.f32 [tilespmem:s18], [sflag:$0x5], $0x80, s11, s15, $0xb8;
	[tilespmem:$0x1F000] =	vst v63  }
0x42: {  	_ =	swait.ge [sflag:s13], $0x2000  }
0x43: {  	[sflag:s13] =	ssyncset.done $0x0  }
0x44: {  	s10 =	simm.s32 $0x280;
	[sflag:s13] =	ssyncadd.s32 $0xFFFFE000  }
0x45: {  	[tilespmem:s18], [sflag:$0x2] =	stream.indirect.gather [hbm4b:s5+s15], $0x80, s10, s15, $0xb8;
	[tilespmem:$0x1F000] =	vst v63  }
0x46: {  	_ =	swait.ge [sflag:s25], $0x2000  }
0x47: {  	[sflag:s25] =	ssyncset.done $0x0  }
0x48: {  	s11 =	simm.s32 $0x1500;
	[sflag:s25] =	ssyncadd.s32 $0xFFFFE000  }
0x49: {  	[spmem:s2] =	stream.indirect.scatter.add.f32 [tilespmem:s20], [sflag:$0x5], $0x80, s11, s15, $0xb8;
	[tilespmem:$0x1F000] =	vst v63  }
0x4a: {  	_ =	swait.ge [sflag:s13], $0x2000  }
0x4b: {  	[sflag:s13] =	ssyncset.done $0x0  }
0x4c: {  	s10 =	simm.s32 $0x300;
	[sflag:s13] =	ssyncadd.s32 $0xFFFFE000  }
0x4d: {  	[tilespmem:s20], [sflag:$0x3] =	stream.indirect.gather [hbm4b:s5+s15], $0x80, s10, s15, $0xb8;
	[tilespmem:$0x1F000] =	vst v63  }
0x4e: {  	_ =	swait.ge [sflag:s26], $0x2000  }
0x4f: {  	[sflag:s26] =	ssyncset.done $0x0  }
0x50: {  	s11 =	simm.s32 $0x1580;
	[sflag:s26] =	ssyncadd.s32 $0xFFFFE000  }
0x51: {  	[spmem:s2] =	stream.indirect.scatter.add.f32 [tilespmem:s22], [sflag:$0x5], $0x80, s11, s15, $0xb8;
	[tilespmem:$0x1F000] =	vst v63  }
0x52: {  	_ =	swait.ge [sflag:s13], $0x2000  }
0x53: {  	[sflag:s13] =	ssyncset.done $0x0  }
0x54: {  	s7 =	simm.s32 $0x800;
	s10 =	simm.s32 $0x380;
	[sflag:s13] =	ssyncadd.s32 $0xFFFFE000  }
.LBB2_5:
0x55: {  	[tilespmem:s22], [sflag:$0x4] =	stream.indirect.gather [hbm4b:s5+s15], $0x80, s10, s15, $0xb8;
	[tilespmem:$0x1F000] =	vst v63  }
0x56: {  	s10 =	smov.u32 s7  }
0x57: {  	p0 =	sne.s32 s7, $0x4000;
	s7 =	sadd.s32 $0x800, s7;
	_ =	swait.ge [sflag:s23], $0x2000  }
0x58: {  	s10 =	sshra.s32 s10, $0x2;
	[sflag:s23] =	ssyncset.done $0x0  }
0x59: {  	s11 =	sadd.s32 $0x1400, s10;
	[sflag:s23] =	ssyncadd.s32 $0xFFFFE000  }
0x5a: {  	[spmem:s2] =	stream.indirect.scatter.add.f32 [tilespmem:s16], [sflag:$0x5], $0x80, s11, s15, $0xb8;
	[tilespmem:$0x1F000] =	vst v63  }
0x5b: {  	_ =	swait.ge [sflag:s13], $0x2000  }
0x5c: {  	[sflag:s13] =	ssyncset.done $0x0  }
0x5d: {  	s11 =	sadd.s32 $0x200, s10;
	[sflag:s13] =	ssyncadd.s32 $0xFFFFE000  }
0x5e: {  	[tilespmem:s16], [sflag:$0x1] =	stream.indirect.gather [hbm4b:s5+s15], $0x80, s11, s15, $0xb8;
	[tilespmem:$0x1F000] =	vst v63  }
0x5f: {  	_ =	swait.ge [sflag:s24], $0x2000  }
0x60: {  	[sflag:s24] =	ssyncset.done $0x0  }
0x61: {  	s11 =	sadd.s32 $0x1480, s10;
	[sflag:s24] =	ssyncadd.s32 $0xFFFFE000  }
0x62: {  	[spmem:s2] =	stream.indirect.scatter.add.f32 [tilespmem:s18], [sflag:$0x5], $0x80, s11, s15, $0xb8;
	[tilespmem:$0x1F000] =	vst v63  }
0x63: {  	_ =	swait.ge [sflag:s13], $0x2000  }
0x64: {  	[sflag:s13] =	ssyncset.done $0x0  }
0x65: {  	s11 =	sadd.s32 $0x280, s10;
	[sflag:s13] =	ssyncadd.s32 $0xFFFFE000  }
0x66: {  	[tilespmem:s18], [sflag:$0x2] =	stream.indirect.gather [hbm4b:s5+s15], $0x80, s11, s15, $0xb8;
	[tilespmem:$0x1F000] =	vst v63  }
0x67: {  	_ =	swait.ge [sflag:s25], $0x2000  }
0x68: {  	[sflag:s25] =	ssyncset.done $0x0  }
0x69: {  	s11 =	sadd.s32 $0x1500, s10;
	[sflag:s25] =	ssyncadd.s32 $0xFFFFE000  }
0x6a: {  	[spmem:s2] =	stream.indirect.scatter.add.f32 [tilespmem:s20], [sflag:$0x5], $0x80, s11, s15, $0xb8;
	[tilespmem:$0x1F000] =	vst v63  }
0x6b: {  	_ =	swait.ge [sflag:s13], $0x2000  }
0x6c: {  	[sflag:s13] =	ssyncset.done $0x0  }
0x6d: {  	s11 =	sadd.s32 $0x300, s10;
	[sflag:s13] =	ssyncadd.s32 $0xFFFFE000  }
0x6e: {  	[tilespmem:s20], [sflag:$0x3] =	stream.indirect.gather [hbm4b:s5+s15], $0x80, s11, s15, $0xb8;
	[tilespmem:$0x1F000] =	vst v63  }
0x6f: {  	_ =	swait.ge [sflag:s26], $0x2000  }
0x70: {  	[sflag:s26] =	ssyncset.done $0x0  }
.Ltmp1:
0x71: {  	s11 =	sadd.s32 $0x1580, s10;
	[sflag:s26] =	ssyncadd.s32 $0xFFFFE000;
	(pc) =	sbr.rel @p0 .LBB2_5-.Ltmp1, $4  }
0x72: {  	[spmem:s2] =	stream.indirect.scatter.add.f32 [tilespmem:s22], [sflag:$0x5], $0x80, s11, s15, $0xb8;
	[tilespmem:$0x1F000] =	vst v63  }
0x73: {  	_ =	swait.ge [sflag:s13], $0x2000  }
0x74: {  	[sflag:s13] =	ssyncset.done $0x0  }
0x75: {  	s10 =	sadd.s32 $0x380, s10;
	[sflag:s13] =	ssyncadd.s32 $0xFFFFE000  }
0x76: {  	[tilespmem:s22], [sflag:$0x4] =	stream.indirect.gather [hbm4b:s5+s15], $0x80, s10, s15, $0xb8;
	[tilespmem:$0x1F000] =	vst v63  }
0x77: {  	_ =	swait.ge [sflag:s23], $0x2000  }
0x78: {  	[sflag:s23] =	ssyncset.done $0x0  }
0x79: {  	[sflag:s23] =	ssyncadd.s32 $0xFFFFE000  }
0x7a: {  	[spmem:s2] =	stream.indirect.scatter.add.f32 [tilespmem:s16], [sflag:$0x5], $0x80, s28, s15, $0xb8;
	[tilespmem:$0x1F000] =	vst v63  }
0x7b: {  	_ =	swait.ge [sflag:s13], $0x2000  }
0x7c: {  	[sflag:s13] =	ssyncset.done $0x0  }
0x7d: {  	[sflag:s13] =	ssyncadd.s32 $0xFFFFE000  }
0x7e: {  	_ =	swait.ge [sflag:s24], $0x2000  }
0x7f: {  	[sflag:s24] =	ssyncset.done $0x0  }
0x80: {  	[sflag:s24] =	ssyncadd.s32 $0xFFFFE000  }
0x81: {  	[spmem:s2] =	stream.indirect.scatter.add.f32 [tilespmem:s18], [sflag:$0x5], $0x80, s29, s15, $0xb8;
	[tilespmem:$0x1F000] =	vst v63  }
0x82: {  	_ =	swait.ge [sflag:s13], $0x2000  }
0x83: {  	[sflag:s13] =	ssyncset.done $0x0  }
0x84: {  	[sflag:s13] =	ssyncadd.s32 $0xFFFFE000  }
0x85: {  	_ =	swait.ge [sflag:s25], $0x2000  }
0x86: {  	[sflag:s25] =	ssyncset.done $0x0  }
0x87: {  	[sflag:s25] =	ssyncadd.s32 $0xFFFFE000  }
0x88: {  	[spmem:s2] =	stream.indirect.scatter.add.f32 [tilespmem:s20], [sflag:$0x5], $0x80, s30, s15, $0xb8;
	[tilespmem:$0x1F000] =	vst v63  }
0x89: {  	_ =	swait.ge [sflag:s13], $0x2000  }
0x8a: {  	[sflag:s13] =	ssyncset.done $0x0  }
0x8b: {  	[sflag:s13] =	ssyncadd.s32 $0xFFFFE000  }
0x8c: {  	s3 =	sadd.s32 $0x1, s3;
	_ =	swait.ge [sflag:s26], $0x2000  }
0x8d: {  	p0 =	sne.s32 s3, $0x4;
	[sflag:s26] =	ssyncset.done $0x0  }
.Ltmp2:
0x8e: {  	[sflag:s26] =	ssyncadd.s32 $0xFFFFE000;
	(pc) =	sbr.rel @p0 .LBB2_4-.Ltmp2, $4  }
0x8f: {  	[spmem:s2] =	stream.indirect.scatter.add.f32 [tilespmem:s22], [sflag:$0x5], $0x80, s31, s15, $0xb8;
	[tilespmem:$0x1F000] =	vst v63  }
0x90: {  	_ =	swait.ge [sflag:s13], $0x2000  }
0x91: {  	[sflag:s13] =	ssyncset.done $0x0  }
0x92: {  	[sflag:s13] =	ssyncadd.s32 $0xFFFFE000  }
0x93: {  	s3 =	stileid.u32  }
0x94: {  	[bflag:$0x0] =	sbarrier.arrive $0xFFFF;
	s3 =	sshll.u32 s3, $0x6  }
0x95: {  	s4 =	sshrl.u32 s8, $0x3;
	s7 =	rddreg [dreg:$0x5];
	s3 =	sor.u32 $0x1C05, s3  }
0x96: {  	[hbm:s7], [sflag:s3] =	dma.local [spmem:s4], $0x2800  }
0x97: {  	_ =	swait.ge [sflag:s13], $0x2800  }
0x98: {  	s0 =	sadd.s32 $0x1, s0;
	s11 =	rddreg [dreg:$0x6]  }
0x99: {  	p0 =	sne.s32 s0, s11  }
.Ltmp3:
0x9a: {  	_ = 	snop;
	(pc) =	sbr.rel @p0 .LBB2_1-.Ltmp3, $3  }
0x9b: {  	_ =	sdelay $0x1  }
0x9c: {  	[sflag:s13] =	ssyncset.done $0x0  }
0x9d: {  	[sflag:s13] =	ssyncadd.s32 $0xFFFFD800  }
0x9e: {  	_ =	sfence.sel $0x180000  }
0x9f: {  	[bflag:$0x0] =	sbarrier.arrive $0xFFFF  }
0xa0: {  	_ =	strace $0x90000047  }
0xa1: {  	s0 =	stileid.u32;
	[bflag:$0x2] =	sbarrier.arrive $0xFFFF  }
0xa2: {  	p0 =	sne.s32 s0, $0x0;
	s0 =	rddreg [dreg:$0x3]  }
0xa3: {  	s0 =	sadd.s32 @!p0 $0x100000, s0  }
0xa4: {  	[sflag:s0] =	ssyncadd.tile.s32 @!p0 $0x1;
	_ =	shalt  }
.Lfunc_end2:
_tile_overlayer_lowered:
.L_overlay_start_2:
0xa5: {  	(tag) =	ssettag $0x2  }
0xa6: {  	s0 =	rddreg [dreg:$0x0];
	s2 =	stileid.u32  }
0xa7: {  	s1 =	rddreg [dreg:$0x1];
	p0 =	sne.s32 s2, $0x0  }
0xa8: {  	s3 =	rddreg [dreg:$0x2];
	[bflag:$0x3] =	sbarrier.arrive $0xFFFF;
	s2 =	simm.s32 @!p0 $0x1C05  }
0xa9: {  	[timem:s3], [sflag:s2] =	dma.local @!p0 [hbm:s0], s1  }
0xaa: {  	s0 =	simm.s32 @!p0 $0x5  }
0xab: {  	_ =	swait.ge @!p0 [sflag:s0], s1  }
0xac: {  	s1 =	ssub.s32 @!p0 $0x0, s1;
	[sflag:s0] =	ssyncset.done @!p0 $0x0  }
0xad: {  	[sflag:s0] =	ssyncadd.s32 @!p0 s1  }
0xae: {  	[bflag:$0x3] =	sbarrier.arrive $0xFFFF  }
0xaf: {  	_ =	shalt  }

</sc_bundles>
